<compile_context>
chip_gen: v7x
topology: tpu7x:2x2x1
jax: 0.10.2.dev20260603
libtpu: 0.0.44.dev20260713+nightly
codegen_flags: <defaults>
</compile_context>

<pallas_src>
import functools

import jax
import jax.numpy as jnp
from jax import lax
from jax.experimental import pallas as pl
from jax.experimental.pallas import tpu as pltpu
from jax.experimental.pallas import tpu_sc as plsc

B, C, H, W = 16, 16, 56, 56
RF = 2
OH = (H - RF) + 1
OW = (W - RF) + 1
P = OH * OW
R, K, S = 2, 32, 4
CHW = C * H * W
PPAD = 3072
NT = PPAD // 128
NBLK = R * K
HALF = NBLK // 2


def _sc_gather_kernel(x_hbm, bases_hbm, off_hbm, out_hbm,
                      xb, offv, basesv, ob0, ob1, sem0, sem1):
    b = lax.axis_index("s")
    h = lax.axis_index("c")

    pltpu.sync_copy(x_hbm.at[b], xb)
    pltpu.sync_copy(off_hbm, offv)
    pltpu.sync_copy(bases_hbm, basesv)

    obufs = (ob0, ob1)
    sems = (sem0, sem1)

    def do_block(i, obuf):
        rk = h * HALF + i
        bvs = [basesv[pl.ds((rk * S + s) * 16, 16)] for s in range(S)]

        @plsc.parallel_loop(0, NT * 8, 1, unroll=8)
        def chunk(j):
            t = j // 8
            u = j - t * 8
            offc = offv[pl.ds(j * 16, 16)]
            for s in range(S):
                obuf[pl.ds(t * 512 + s * 128 + u * 16, 16)] = (
                    plsc.load_gather(xb, [offc + bvs[s]]))

    def block_dma(obuf, sem, blk):
        rk = h * HALF + blk
        r = rk // K
        k = rk - r * K
        return pltpu.make_async_copy(obuf, out_hbm.at[b, r, k], sem)

    def loop_body(i, _):
        for par in range(2):
            obuf, sem = obufs[par], sems[par]
            blk = i * 2 + par
            @pl.when(i > 0)
            def _wait():
                block_dma(obuf, sem, blk - 2).wait()
            do_block(blk, obuf)
            block_dma(obuf, sem, blk).start()
        return _

    lax.fori_loop(0, HALF // 2, loop_body, None)

    for par in range(2):
        block_dma(obufs[par], sems[par], HALF - 2 + par).wait()


def kernel(x, flat_idx):
    bases = jnp.min(flat_idx[:, :, :128, :], axis=2)
    bases = bases.reshape(NBLK * S, 1).astype(jnp.int32)
    bvecs = jnp.tile(bases, (1, 16)).reshape(NBLK * S * 16)
    p = jnp.arange(PPAD, dtype=jnp.int32)
    off = jnp.where(p < P, (p // OW) * W + (p - (p // OW) * OW), 0)
    off = off.astype(jnp.int32)

    mesh = plsc.VectorSubcoreMesh(core_axis_name="c", subcore_axis_name="s")
    f = functools.partial(
        pl.kernel,
        out_type=jax.ShapeDtypeStruct((B, R, K, NT * S * 128), jnp.float32),
        mesh=mesh,
        scratch_types=[
            pltpu.VMEM((CHW,), jnp.float32),
            pltpu.VMEM((PPAD,), jnp.int32),
            pltpu.VMEM((NBLK * S * 16,), jnp.int32),
            pltpu.VMEM((NT * S * 128,), jnp.float32),
            pltpu.VMEM((NT * S * 128,), jnp.float32),
            pltpu.SemaphoreType.DMA,
            pltpu.SemaphoreType.DMA,
        ],
        compiler_params=pltpu.CompilerParams(
            needs_layout_passes=False, use_tc_tiling_on_sc=False),
    )(_sc_gather_kernel)
    out6 = f(x.reshape(B, CHW), bvecs, off)
    a = out6.reshape(B, R, K, NT, S, 128)
    a = jnp.transpose(a, (0, 1, 2, 3, 5, 4))
    a = a.reshape(B, R, K, PPAD, S)
    return a[:, :, :, :P, :]

# --- scband reference (transcript-rebuilt; emitter-appended) ---
"""Pipeline reference for scband-fixed-conv-connections-4887672783219 (READ-ONLY COPY).

The authoritative reference and input builder live on the scoring server;
editing this copy changes nothing except your own understanding.
"""

import jax, jax.numpy as jnp
import numpy as np

B, C, H, W = 16, 16, 56, 56
RF = 2
STRIDE = 1
LUT_RANK = 2
TREE_DEPTH = 3
K = 32
S = LUT_RANK ** (TREE_DEPTH - 1)
OH = (H - RF) // STRIDE + 1
OW = (W - RF) // STRIDE + 1
P = OH * OW


def _build_flat_indices(ki):
    # random init: sample (sample_size, lut_rank) positions per kernel from the
    # (channel x rf x rf) receptive-field grid, with replacement
    num_positions = C * RF * RF
    idx = jax.random.randint(ki, (K, S, LUT_RANK), 0, num_positions)
    ch = idx // (RF * RF)
    rem = idx % (RF * RF)
    dy = rem // RF
    dx = rem % RF
    coords = jnp.stack([ch, dy, dx], axis=-1)          # (K, S, LUT_RANK, 3)
    coords = jnp.transpose(coords, (2, 0, 1, 3))       # (LUT_RANK, K, S, 3)
    # output spatial anchor positions (padding=0)
    oy = jnp.arange(OH) * STRIDE
    ox = jnp.arange(OW) * STRIDE
    oyy, oxx = jnp.meshgrid(oy, ox, indexing='ij')
    out_pos = jnp.stack([oyy.ravel(), oxx.ravel()], axis=1)  # (P, 2)
    chb = coords[..., 0][:, :, None, :]                # (R, K, 1, S)
    dyb = coords[..., 1][:, :, None, :]
    dxb = coords[..., 2][:, :, None, :]
    yy = out_pos[None, None, :, 0:1] + dyb             # (R, K, P, S)
    xx = out_pos[None, None, :, 1:2] + dxb             # (R, K, P, S)
    flat_idx = chb * (H * W) + yy * W + xx             # (R, K, P, S)
    return flat_idx.astype(jnp.int32)


def setup_inputs(seed: int = 0) -> dict:
    key = jax.random.key(seed)
    kx, ki = jax.random.split(key)
    x = jax.random.normal(kx, (B, C, H, W), dtype=jnp.float32)
    flat_idx = _build_flat_indices(ki)
    return {"x": x, "flat_idx": flat_idx}


def reference(x, flat_idx):
    # forward: gather the fixed receptive-field connections for every kernel
    # at every output spatial position (embedding-lookup-style gather)
    xf = x.reshape(B, C * H * W)                       # (B, C*H*W)
    gathered = jnp.take(xf, flat_idx.reshape(-1), axis=1)
    out = gathered.reshape(B, LUT_RANK, K, P, S)       # (B, R, K, P, S)
    return out

if __name__ == "__main__":
    import jax
    _d = setup_inputs()
    print(jax.jit(kernel)(*tuple(_d.values())))

</pallas_src>

<mosaic_0001>
#map = affine_map<(d0, d1) -> (0, 0)>
#map1 = affine_map<(d0, d1) -> (0)>
#map2 = affine_map<(d0, d1) -> (0, 0, 0, 0)>
module attributes {stable_mosaic.version = 14 : i64} {
  func.func @_sc_gather_kernel(%arg0: i32, %arg1: i32, %arg2: memref<16x50176xf32, #tpu.memory_space<hbm>>, %arg3: memref<4096xi32, #tpu.memory_space<hbm>>, %arg4: memref<3072xi32, #tpu.memory_space<hbm>>, %arg5: memref<16x2x32x12288xf32, #tpu.memory_space<hbm>>, %arg6: memref<50176xf32, #tpu.memory_space<vmem>>, %arg7: memref<3072xi32, #tpu.memory_space<vmem>>, %arg8: memref<4096xi32, #tpu.memory_space<vmem>>, %arg9: memref<12288xf32, #tpu.memory_space<vmem>>, %arg10: memref<12288xf32, #tpu.memory_space<vmem>>, %arg11: memref<!tpu.dma_semaphore, #tpu.memory_space<semaphore_mem>>, %arg12: memref<!tpu.dma_semaphore, #tpu.memory_space<semaphore_mem>>) attributes {dimension_semantics = [#tpu.dimension_semantics<core_parallel>, #tpu.dimension_semantics<subcore_parallel>], iteration_bounds = array<i64: 2, 16>, scalar_prefetch = 0 : i64, scratch_operands = 7 : i64, tpu.core_type = #tpu.core_type<sc_vector_subcore>, window_params = [{transform_indices = #map}, {transform_indices = #map1}, {transform_indices = #map1}, {transform_indices = #map2}]} {
    "tpu.region"() ({
      %run_scoped3A = tpu.sem_alloc : memref<!tpu.dma_semaphore, #tpu.memory_space<semaphore_mem>>
      %dma_start3A = arith.constant 0 : i32
      %dma_start3A_67 = tpu.memref_slice %arg2[%arg1, %dma_start3A] : memref<16x50176xf32, #tpu.memory_space<hbm>> -> memref<1x50176xf32, #tpu.memory_space<hbm>>
      %dma_start3A_68 = tpu.memref_squeeze %dma_start3A_67 : memref<1x50176xf32, #tpu.memory_space<hbm>> -> memref<50176xf32, #tpu.memory_space<hbm>>
      %dma_start3A_69 = arith.constant 0 : i32
      %dma_start3A_70 = tpu.memref_slice %arg2[%arg1, %dma_start3A_69] : memref<16x50176xf32, #tpu.memory_space<hbm>> -> memref<1x50176xf32, #tpu.memory_space<hbm>>
      %dma_start3A_71 = tpu.memref_squeeze %dma_start3A_70 : memref<1x50176xf32, #tpu.memory_space<hbm>> -> memref<50176xf32, #tpu.memory_space<hbm>>
      tpu.enqueue_dma source(%dma_start3A_71 : memref<50176xf32, #tpu.memory_space<hbm>>) target(%arg6 : memref<50176xf32, #tpu.memory_space<vmem>>) target_semaphore(%run_scoped3A : memref<!tpu.dma_semaphore, #tpu.memory_space<semaphore_mem>>)
      %dma_wait3A_72 = arith.constant 0 : i32
      %dma_wait3A_73 = tpu.memref_slice %arg2[%arg1, %dma_wait3A_72] : memref<16x50176xf32, #tpu.memory_space<hbm>> -> memref<1x50176xf32, #tpu.memory_space<hbm>>
      %dma_wait3A_74 = tpu.memref_squeeze %dma_wait3A_73 : memref<1x50176xf32, #tpu.memory_space<hbm>> -> memref<50176xf32, #tpu.memory_space<hbm>>
      %dma_wait3A_75 = arith.constant 0 : i32
      %dma_wait3A_76 = tpu.memref_slice %arg2[%arg1, %dma_wait3A_75] : memref<16x50176xf32, #tpu.memory_space<hbm>> -> memref<1x50176xf32, #tpu.memory_space<hbm>>
      %dma_wait3A_77 = tpu.memref_squeeze %dma_wait3A_76 : memref<1x50176xf32, #tpu.memory_space<hbm>> -> memref<50176xf32, #tpu.memory_space<hbm>>
      tpu.wait_dma2 semaphore(%run_scoped3A : memref<!tpu.dma_semaphore, #tpu.memory_space<semaphore_mem>>) src(%dma_wait3A_77 : memref<50176xf32, #tpu.memory_space<hbm>>) dst(%arg6 : memref<50176xf32, #tpu.memory_space<vmem>>)
      tpu.yield
    }) : () -> ()
    "tpu.region"() ({
      %run_scoped3A = tpu.sem_alloc : memref<!tpu.dma_semaphore, #tpu.memory_space<semaphore_mem>>
      tpu.enqueue_dma source(%arg4 : memref<3072xi32, #tpu.memory_space<hbm>>) target(%arg7 : memref<3072xi32, #tpu.memory_space<vmem>>) target_semaphore(%run_scoped3A : memref<!tpu.dma_semaphore, #tpu.memory_space<semaphore_mem>>)
      tpu.wait_dma2 semaphore(%run_scoped3A : memref<!tpu.dma_semaphore, #tpu.memory_space<semaphore_mem>>) src(%arg4 : memref<3072xi32, #tpu.memory_space<hbm>>) dst(%arg7 : memref<3072xi32, #tpu.memory_space<vmem>>)
      tpu.yield
    }) : () -> ()
    "tpu.region"() ({
      %run_scoped3A = tpu.sem_alloc : memref<!tpu.dma_semaphore, #tpu.memory_space<semaphore_mem>>
      tpu.enqueue_dma source(%arg3 : memref<4096xi32, #tpu.memory_space<hbm>>) target(%arg8 : memref<4096xi32, #tpu.memory_space<vmem>>) target_semaphore(%run_scoped3A : memref<!tpu.dma_semaphore, #tpu.memory_space<semaphore_mem>>)
      tpu.wait_dma2 semaphore(%run_scoped3A : memref<!tpu.dma_semaphore, #tpu.memory_space<semaphore_mem>>) src(%arg3 : memref<4096xi32, #tpu.memory_space<hbm>>) dst(%arg8 : memref<4096xi32, #tpu.memory_space<vmem>>)
      tpu.yield
    }) : () -> ()
    %scan3A = arith.constant 0 : i32
    %scan3A_0 = arith.constant 16 : i32
    %scan3A_1 = arith.addi %scan3A, %scan3A_0 : i32
    %scan3A_2 = arith.constant 1 : i32
    scf.for %scan3A_67 = %scan3A to %scan3A_1 step %scan3A_2  : i32 {
      %mul3A_68 = arith.constant 2 : i32
      %mul3A_69 = arith.muli %scan3A_67, %mul3A_68 : i32
      %add3A_70 = arith.constant 0 : i32
      %add3A_71 = arith.addi %mul3A_69, %add3A_70 : i32
      %gt3A = arith.constant 0 : i32
      %gt3A_72 = arith.cmpi sgt, %scan3A_67, %gt3A : i32
      %convert_element_type3A = arith.extui %gt3A_72 : i1 to i32
      %cond3A = arith.constant 0 : i32
      %cond3A_73 = arith.cmpi ne, %convert_element_type3A, %cond3A : i32
      scf.if %cond3A_73 {
        %sub3A_228 = arith.constant 2 : i32
        %sub3A_229 = arith.subi %add3A_71, %sub3A_228 : i32
        %mul3A_230 = arith.constant 32 : i32
        %mul3A_231 = arith.muli %arg0, %mul3A_230 : i32
        %add3A_232 = arith.addi %mul3A_231, %sub3A_229 : i32
        %jit3A_233 = arith.constant 32 : i32
        %div3A_234 = arith.divsi %add3A_232, %jit3A_233 : i32
        %sign3A_235 = arith.constant 0 : i32
        %sign3A_236 = arith.cmpi sgt, %add3A_232, %sign3A_235 : i32
        %sign3A_237 = arith.extui %sign3A_236 : i1 to i32
        %sign3A_238 = arith.constant 0 : i32
        %sign3A_239 = arith.cmpi slt, %add3A_232, %sign3A_238 : i32
        %sign3A_240 = arith.extui %sign3A_239 : i1 to i32
        %sign3A_241 = arith.subi %sign3A_237, %sign3A_240 : i32
        %sign3A_242 = arith.constant 0 : i32
        %sign3A_243 = arith.cmpi sgt, %jit3A_233, %sign3A_242 : i32
        %sign3A_244 = arith.extui %sign3A_243 : i1 to i32
        %sign3A_245 = arith.constant 0 : i32
        %sign3A_246 = arith.cmpi slt, %jit3A_233, %sign3A_245 : i32
        %sign3A_247 = arith.extui %sign3A_246 : i1 to i32
        %sign3A_248 = arith.subi %sign3A_244, %sign3A_247 : i32
        %ne3A_249 = arith.cmpi ne, %sign3A_241, %sign3A_248 : i32
        %rem3A_250 = arith.remsi %add3A_232, %jit3A_233 : i32
        %ne3A_251 = arith.constant 0 : i32
        %ne3A_252 = arith.cmpi ne, %rem3A_250, %ne3A_251 : i32
        %and3A_253 = arith.andi %ne3A_249, %ne3A_252 : i1
        %sub3A_254 = arith.constant 1 : i32
        %sub3A_255 = arith.subi %div3A_234, %sub3A_254 : i32
        %select_n3A_256 = arith.select %and3A_253, %sub3A_255, %div3A_234 : i32
        %mul3A_257 = arith.constant 32 : i32
        %mul3A_258 = arith.muli %select_n3A_256, %mul3A_257 : i32
        %sub3A_259 = arith.subi %add3A_232, %mul3A_258 : i32
        %dma_wait3A_260 = arith.constant 0 : i32
        %dma_wait3A_261 = tpu.memref_slice %arg5[%arg1, %select_n3A_256, %sub3A_259, %dma_wait3A_260] : memref<16x2x32x12288xf32, #tpu.memory_space<hbm>> -> memref<1x1x1x12288xf32, #tpu.memory_space<hbm>>
        %dma_wait3A_262 = tpu.memref_squeeze %dma_wait3A_261 : memref<1x1x1x12288xf32, #tpu.memory_space<hbm>> -> memref<12288xf32, #tpu.memory_space<hbm>>
        %dma_wait3A_263 = arith.constant 0 : i32
        %dma_wait3A_264 = tpu.memref_slice %arg5[%arg1, %select_n3A_256, %sub3A_259, %dma_wait3A_263] : memref<16x2x32x12288xf32, #tpu.memory_space<hbm>> -> memref<1x1x1x12288xf32, #tpu.memory_space<hbm>>
        %dma_wait3A_265 = tpu.memref_squeeze %dma_wait3A_264 : memref<1x1x1x12288xf32, #tpu.memory_space<hbm>> -> memref<12288xf32, #tpu.memory_space<hbm>>
        tpu.wait_dma2 semaphore(%arg11 : memref<!tpu.dma_semaphore, #tpu.memory_space<semaphore_mem>>) src(%arg9 : memref<12288xf32, #tpu.memory_space<vmem>>) dst(%dma_wait3A_265 : memref<12288xf32, #tpu.memory_space<hbm>>)
      } else {
      }
      %mul3A_74 = arith.constant 32 : i32
      %mul3A_75 = arith.muli %arg0, %mul3A_74 : i32
      %add3A_76 = arith.addi %mul3A_75, %add3A_71 : i32
      %mul3A_77 = arith.constant 4 : i32
      %mul3A_78 = arith.muli %add3A_76, %mul3A_77 : i32
      %add3A_79 = arith.constant 0 : i32
      %add3A_80 = arith.addi %mul3A_78, %add3A_79 : i32
      %mul3A_81 = arith.constant 16 : i32
      %mul3A_82 = arith.muli %add3A_80, %mul3A_81 : i32
      %get3A = arith.index_cast %mul3A_82 : i32 to index
      %get3A_83 = tpu.vector_load %arg8[%get3A] {strides = array<i32>} : memref<4096xi32, #tpu.memory_space<vmem>>, vector<16xi32>,
      %mul3A_84 = arith.constant 4 : i32
      %mul3A_85 = arith.muli %add3A_76, %mul3A_84 : i32
      %add3A_86 = arith.constant 1 : i32
      %add3A_87 = arith.addi %mul3A_85, %add3A_86 : i32
      %mul3A_88 = arith.constant 16 : i32
      %mul3A_89 = arith.muli %add3A_87, %mul3A_88 : i32
      %get3A_90 = arith.index_cast %mul3A_89 : i32 to index
      %get3A_91 = tpu.vector_load %arg8[%get3A_90] {strides = array<i32>} : memref<4096xi32, #tpu.memory_space<vmem>>, vector<16xi32>,
      %mul3A_92 = arith.constant 4 : i32
      %mul3A_93 = arith.muli %add3A_76, %mul3A_92 : i32
      %add3A_94 = arith.constant 2 : i32
      %add3A_95 = arith.addi %mul3A_93, %add3A_94 : i32
      %mul3A_96 = arith.constant 16 : i32
      %mul3A_97 = arith.muli %add3A_95, %mul3A_96 : i32
      %get3A_98 = arith.index_cast %mul3A_97 : i32 to index
      %get3A_99 = tpu.vector_load %arg8[%get3A_98] {strides = array<i32>} : memref<4096xi32, #tpu.memory_space<vmem>>, vector<16xi32>,
      %mul3A_100 = arith.constant 4 : i32
      %mul3A_101 = arith.muli %add3A_76, %mul3A_100 : i32
      %add3A_102 = arith.constant 3 : i32
      %add3A_103 = arith.addi %mul3A_101, %add3A_102 : i32
      %mul3A_104 = arith.constant 16 : i32
      %mul3A_105 = arith.muli %add3A_103, %mul3A_104 : i32
      %get3A_106 = arith.index_cast %mul3A_105 : i32 to index
      %get3A_107 = tpu.vector_load %arg8[%get3A_106] {strides = array<i32>} : memref<4096xi32, #tpu.memory_space<vmem>>, vector<16xi32>,
      %parallel_loop3A = arith.constant 0 : i32
      %parallel_loop3A_108 = arith.constant 192 : i32
      %parallel_loop3A_109 = arith.constant 1 : i32
      scf.for %parallel_loop3A_228 = %parallel_loop3A to %parallel_loop3A_108 step %parallel_loop3A_109  : i32 {
        %parallel_loop3A_229 = arith.constant 8 : i32
        %parallel_loop3A_230 = arith.divsi %parallel_loop3A_228, %parallel_loop3A_229 : i32
        %parallel_loop3A_231 = arith.constant 0 : i32
        %parallel_loop3A_232 = arith.cmpi sgt, %parallel_loop3A_228, %parallel_loop3A_231 : i32
        %parallel_loop3A_233 = arith.extui %parallel_loop3A_232 : i1 to i32
        %parallel_loop3A_234 = arith.constant 0 : i32
        %parallel_loop3A_235 = arith.cmpi slt, %parallel_loop3A_228, %parallel_loop3A_234 : i32
        %parallel_loop3A_236 = arith.extui %parallel_loop3A_235 : i1 to i32
        %parallel_loop3A_237 = arith.subi %parallel_loop3A_233, %parallel_loop3A_236 : i32
        %parallel_loop3A_238 = arith.constant 0 : i32
        %parallel_loop3A_239 = arith.cmpi sgt, %parallel_loop3A_229, %parallel_loop3A_238 : i32
        %parallel_loop3A_240 = arith.extui %parallel_loop3A_239 : i1 to i32
        %parallel_loop3A_241 = arith.constant 0 : i32
        %parallel_loop3A_242 = arith.cmpi slt, %parallel_loop3A_229, %parallel_loop3A_241 : i32
        %parallel_loop3A_243 = arith.extui %parallel_loop3A_242 : i1 to i32
        %parallel_loop3A_244 = arith.subi %parallel_loop3A_240, %parallel_loop3A_243 : i32
        %parallel_loop3A_245 = arith.cmpi ne, %parallel_loop3A_237, %parallel_loop3A_244 : i32
        %parallel_loop3A_246 = arith.remsi %parallel_loop3A_228, %parallel_loop3A_229 : i32
        %parallel_loop3A_247 = arith.constant 0 : i32
        %parallel_loop3A_248 = arith.cmpi ne, %parallel_loop3A_246, %parallel_loop3A_247 : i32
        %parallel_loop3A_249 = arith.andi %parallel_loop3A_245, %parallel_loop3A_248 : i1
        %parallel_loop3A_250 = arith.constant 1 : i32
        %parallel_loop3A_251 = arith.subi %parallel_loop3A_230, %parallel_loop3A_250 : i32
        %parallel_loop3A_252 = arith.select %parallel_loop3A_249, %parallel_loop3A_251, %parallel_loop3A_230 : i32
        %parallel_loop3A_253 = arith.constant 8 : i32
        %parallel_loop3A_254 = arith.muli %parallel_loop3A_252, %parallel_loop3A_253 : i32
        %parallel_loop3A_255 = arith.subi %parallel_loop3A_228, %parallel_loop3A_254 : i32
        %parallel_loop3A_256 = arith.constant 16 : i32
        %parallel_loop3A_257 = arith.muli %parallel_loop3A_228, %parallel_loop3A_256 : i32
        %parallel_loop3A_258 = arith.index_cast %parallel_loop3A_257 : i32 to index
        %parallel_loop3A_259 = tpu.vector_load %arg7[%parallel_loop3A_258] {strides = array<i32>} : memref<3072xi32, #tpu.memory_space<vmem>>, vector<16xi32>,
        %parallel_loop3A_260 = arith.addi %parallel_loop3A_259, %get3A_83 : vector<16xi32>
        %parallel_loop3A_261 = tpu.vector_load_idx %arg6[%parallel_loop3A_260] : memref<50176xf32, #tpu.memory_space<vmem>>[vector<16xi32>], vector<16xf32>,
        %parallel_loop3A_262 = arith.constant 512 : i32
        %parallel_loop3A_263 = arith.muli %parallel_loop3A_252, %parallel_loop3A_262 : i32
        %parallel_loop3A_264 = arith.constant 0 : i32
        %parallel_loop3A_265 = arith.addi %parallel_loop3A_263, %parallel_loop3A_264 : i32
        %parallel_loop3A_266 = arith.constant 16 : i32
        %parallel_loop3A_267 = arith.muli %parallel_loop3A_255, %parallel_loop3A_266 : i32
        %parallel_loop3A_268 = arith.addi %parallel_loop3A_265, %parallel_loop3A_267 : i32
        %parallel_loop3A_269 = arith.index_cast %parallel_loop3A_268 : i32 to index
        %parallel_loop3A_270 = tpu.vector_load %arg9[%parallel_loop3A_269] {strides = array<i32>} : memref<12288xf32, #tpu.memory_space<vmem>>, vector<16xf32>,
        tpu.vector_store %arg9[%parallel_loop3A_269], %parallel_loop3A_261 {strides = array<i32>} : memref<12288xf32, #tpu.memory_space<vmem>>, vector<16xf32>,
        %parallel_loop3A_271 = arith.addi %parallel_loop3A_259, %get3A_91 : vector<16xi32>
        %parallel_loop3A_272 = tpu.vector_load_idx %arg6[%parallel_loop3A_271] : memref<50176xf32, #tpu.memory_space<vmem>>[vector<16xi32>], vector<16xf32>,
        %parallel_loop3A_273 = arith.constant 512 : i32
        %parallel_loop3A_274 = arith.muli %parallel_loop3A_252, %parallel_loop3A_273 : i32
        %parallel_loop3A_275 = arith.constant 128 : i32
        %parallel_loop3A_276 = arith.addi %parallel_loop3A_274, %parallel_loop3A_275 : i32
        %parallel_loop3A_277 = arith.constant 16 : i32
        %parallel_loop3A_278 = arith.muli %parallel_loop3A_255, %parallel_loop3A_277 : i32
        %parallel_loop3A_279 = arith.addi %parallel_loop3A_276, %parallel_loop3A_278 : i32
        %parallel_loop3A_280 = arith.index_cast %parallel_loop3A_279 : i32 to index
        %parallel_loop3A_281 = tpu.vector_load %arg9[%parallel_loop3A_280] {strides = array<i32>} : memref<12288xf32, #tpu.memory_space<vmem>>, vector<16xf32>,
        tpu.vector_store %arg9[%parallel_loop3A_280], %parallel_loop3A_272 {strides = array<i32>} : memref<12288xf32, #tpu.memory_space<vmem>>, vector<16xf32>,
        %parallel_loop3A_282 = arith.addi %parallel_loop3A_259, %get3A_99 : vector<16xi32>
        %parallel_loop3A_283 = tpu.vector_load_idx %arg6[%parallel_loop3A_282] : memref<50176xf32, #tpu.memory_space<vmem>>[vector<16xi32>], vector<16xf32>,
        %parallel_loop3A_284 = arith.constant 512 : i32
        %parallel_loop3A_285 = arith.muli %parallel_loop3A_252, %parallel_loop3A_284 : i32
        %parallel_loop3A_286 = arith.constant 256 : i32
        %parallel_loop3A_287 = arith.addi %parallel_loop3A_285, %parallel_loop3A_286 : i32
        %parallel_loop3A_288 = arith.constant 16 : i32
        %parallel_loop3A_289 = arith.muli %parallel_loop3A_255, %parallel_loop3A_288 : i32
        %parallel_loop3A_290 = arith.addi %parallel_loop3A_287, %parallel_loop3A_289 : i32
        %parallel_loop3A_291 = arith.index_cast %parallel_loop3A_290 : i32 to index
        %parallel_loop3A_292 = tpu.vector_load %arg9[%parallel_loop3A_291] {strides = array<i32>} : memref<12288xf32, #tpu.memory_space<vmem>>, vector<16xf32>,
        tpu.vector_store %arg9[%parallel_loop3A_291], %parallel_loop3A_283 {strides = array<i32>} : memref<12288xf32, #tpu.memory_space<vmem>>, vector<16xf32>,
        %parallel_loop3A_293 = arith.addi %parallel_loop3A_259, %get3A_107 : vector<16xi32>
        %parallel_loop3A_294 = tpu.vector_load_idx %arg6[%parallel_loop3A_293] : memref<50176xf32, #tpu.memory_space<vmem>>[vector<16xi32>], vector<16xf32>,
        %parallel_loop3A_295 = arith.constant 512 : i32
        %parallel_loop3A_296 = arith.muli %parallel_loop3A_252, %parallel_loop3A_295 : i32
        %parallel_loop3A_297 = arith.constant 384 : i32
        %parallel_loop3A_298 = arith.addi %parallel_loop3A_296, %parallel_loop3A_297 : i32
        %parallel_loop3A_299 = arith.constant 16 : i32
        %parallel_loop3A_300 = arith.muli %parallel_loop3A_255, %parallel_loop3A_299 : i32
        %parallel_loop3A_301 = arith.addi %parallel_loop3A_298, %parallel_loop3A_300 : i32
        %parallel_loop3A_302 = arith.index_cast %parallel_loop3A_301 : i32 to index
        %parallel_loop3A_303 = tpu.vector_load %arg9[%parallel_loop3A_302] {strides = array<i32>} : memref<12288xf32, #tpu.memory_space<vmem>>, vector<16xf32>,
        tpu.vector_store %arg9[%parallel_loop3A_302], %parallel_loop3A_294 {strides = array<i32>} : memref<12288xf32, #tpu.memory_space<vmem>>, vector<16xf32>,
      } {sc.loop_unroll_factor = 8 : i64, sc.parallel_access}
      %mul3A_110 = arith.constant 32 : i32
      %mul3A_111 = arith.muli %arg0, %mul3A_110 : i32
      %add3A_112 = arith.addi %mul3A_111, %add3A_71 : i32
      %jit3A_113 = arith.constant 32 : i32
      %div3A_114 = arith.divsi %add3A_112, %jit3A_113 : i32
      %sign3A_115 = arith.constant 0 : i32
      %sign3A_116 = arith.cmpi sgt, %add3A_112, %sign3A_115 : i32
      %sign3A_117 = arith.extui %sign3A_116 : i1 to i32
      %sign3A_118 = arith.constant 0 : i32
      %sign3A_119 = arith.cmpi slt, %add3A_112, %sign3A_118 : i32
      %sign3A_120 = arith.extui %sign3A_119 : i1 to i32
      %sign3A_121 = arith.subi %sign3A_117, %sign3A_120 : i32
      %sign3A_122 = arith.constant 0 : i32
      %sign3A_123 = arith.cmpi sgt, %jit3A_113, %sign3A_122 : i32
      %sign3A_124 = arith.extui %sign3A_123 : i1 to i32
      %sign3A_125 = arith.constant 0 : i32
      %sign3A_126 = arith.cmpi slt, %jit3A_113, %sign3A_125 : i32
      %sign3A_127 = arith.extui %sign3A_126 : i1 to i32
      %sign3A_128 = arith.subi %sign3A_124, %sign3A_127 : i32
      %ne3A_129 = arith.cmpi ne, %sign3A_121, %sign3A_128 : i32
      %rem3A_130 = arith.remsi %add3A_112, %jit3A_113 : i32
      %ne3A_131 = arith.constant 0 : i32
      %ne3A_132 = arith.cmpi ne, %rem3A_130, %ne3A_131 : i32
      %and3A_133 = arith.andi %ne3A_129, %ne3A_132 : i1
      %sub3A_134 = arith.constant 1 : i32
      %sub3A_135 = arith.subi %div3A_114, %sub3A_134 : i32
      %select_n3A_136 = arith.select %and3A_133, %sub3A_135, %div3A_114 : i32
      %mul3A_137 = arith.constant 32 : i32
      %mul3A_138 = arith.muli %select_n3A_136, %mul3A_137 : i32
      %sub3A_139 = arith.subi %add3A_112, %mul3A_138 : i32
      %dma_start3A = arith.constant 0 : i32
      %dma_start3A_140 = tpu.memref_slice %arg5[%arg1, %select_n3A_136, %sub3A_139, %dma_start3A] : memref<16x2x32x12288xf32, #tpu.memory_space<hbm>> -> memref<1x1x1x12288xf32, #tpu.memory_space<hbm>>
      %dma_start3A_141 = tpu.memref_squeeze %dma_start3A_140 : memref<1x1x1x12288xf32, #tpu.memory_space<hbm>> -> memref<12288xf32, #tpu.memory_space<hbm>>
      %dma_start3A_142 = arith.constant 0 : i32
      %dma_start3A_143 = tpu.memref_slice %arg5[%arg1, %select_n3A_136, %sub3A_139, %dma_start3A_142] : memref<16x2x32x12288xf32, #tpu.memory_space<hbm>> -> memref<1x1x1x12288xf32, #tpu.memory_space<hbm>>
      %dma_start3A_144 = tpu.memref_squeeze %dma_start3A_143 : memref<1x1x1x12288xf32, #tpu.memory_space<hbm>> -> memref<12288xf32, #tpu.memory_space<hbm>>
      tpu.enqueue_dma source(%arg9 : memref<12288xf32, #tpu.memory_space<vmem>>) target(%dma_start3A_144 : memref<12288xf32, #tpu.memory_space<hbm>>) target_semaphore(%arg11 : memref<!tpu.dma_semaphore, #tpu.memory_space<semaphore_mem>>)
      %mul3A_145 = arith.constant 2 : i32
      %mul3A_146 = arith.muli %scan3A_67, %mul3A_145 : i32
      %add3A_147 = arith.constant 1 : i32
      %add3A_148 = arith.addi %mul3A_146, %add3A_147 : i32
      %gt3A_149 = arith.constant 0 : i32
      %gt3A_150 = arith.cmpi sgt, %scan3A_67, %gt3A_149 : i32
      %convert_element_type3A_151 = arith.extui %gt3A_150 : i1 to i32
      %cond3A_152 = arith.constant 0 : i32
      %cond3A_153 = arith.cmpi ne, %convert_element_type3A_151, %cond3A_152 : i32
      scf.if %cond3A_153 {
        %sub3A_228 = arith.constant 2 : i32
        %sub3A_229 = arith.subi %add3A_148, %sub3A_228 : i32
        %mul3A_230 = arith.constant 32 : i32
        %mul3A_231 = arith.muli %arg0, %mul3A_230 : i32
        %add3A_232 = arith.addi %mul3A_231, %sub3A_229 : i32
        %jit3A_233 = arith.constant 32 : i32
        %div3A_234 = arith.divsi %add3A_232, %jit3A_233 : i32
        %sign3A_235 = arith.constant 0 : i32
        %sign3A_236 = arith.cmpi sgt, %add3A_232, %sign3A_235 : i32
        %sign3A_237 = arith.extui %sign3A_236 : i1 to i32
        %sign3A_238 = arith.constant 0 : i32
        %sign3A_239 = arith.cmpi slt, %add3A_232, %sign3A_238 : i32
        %sign3A_240 = arith.extui %sign3A_239 : i1 to i32
        %sign3A_241 = arith.subi %sign3A_237, %sign3A_240 : i32
        %sign3A_242 = arith.constant 0 : i32
        %sign3A_243 = arith.cmpi sgt, %jit3A_233, %sign3A_242 : i32
        %sign3A_244 = arith.extui %sign3A_243 : i1 to i32
        %sign3A_245 = arith.constant 0 : i32
        %sign3A_246 = arith.cmpi slt, %jit3A_233, %sign3A_245 : i32
        %sign3A_247 = arith.extui %sign3A_246 : i1 to i32
        %sign3A_248 = arith.subi %sign3A_244, %sign3A_247 : i32
        %ne3A_249 = arith.cmpi ne, %sign3A_241, %sign3A_248 : i32
        %rem3A_250 = arith.remsi %add3A_232, %jit3A_233 : i32
        %ne3A_251 = arith.constant 0 : i32
        %ne3A_252 = arith.cmpi ne, %rem3A_250, %ne3A_251 : i32
        %and3A_253 = arith.andi %ne3A_249, %ne3A_252 : i1
        %sub3A_254 = arith.constant 1 : i32
        %sub3A_255 = arith.subi %div3A_234, %sub3A_254 : i32
        %select_n3A_256 = arith.select %and3A_253, %sub3A_255, %div3A_234 : i32
        %mul3A_257 = arith.constant 32 : i32
        %mul3A_258 = arith.muli %select_n3A_256, %mul3A_257 : i32
        %sub3A_259 = arith.subi %add3A_232, %mul3A_258 : i32
        %dma_wait3A_260 = arith.constant 0 : i32
        %dma_wait3A_261 = tpu.memref_slice %arg5[%arg1, %select_n3A_256, %sub3A_259, %dma_wait3A_260] : memref<16x2x32x12288xf32, #tpu.memory_space<hbm>> -> memref<1x1x1x12288xf32, #tpu.memory_space<hbm>>
        %dma_wait3A_262 = tpu.memref_squeeze %dma_wait3A_261 : memref<1x1x1x12288xf32, #tpu.memory_space<hbm>> -> memref<12288xf32, #tpu.memory_space<hbm>>
        %dma_wait3A_263 = arith.constant 0 : i32
        %dma_wait3A_264 = tpu.memref_slice %arg5[%arg1, %select_n3A_256, %sub3A_259, %dma_wait3A_263] : memref<16x2x32x12288xf32, #tpu.memory_space<hbm>> -> memref<1x1x1x12288xf32, #tpu.memory_space<hbm>>
        %dma_wait3A_265 = tpu.memref_squeeze %dma_wait3A_264 : memref<1x1x1x12288xf32, #tpu.memory_space<hbm>> -> memref<12288xf32, #tpu.memory_space<hbm>>
        tpu.wait_dma2 semaphore(%arg12 : memref<!tpu.dma_semaphore, #tpu.memory_space<semaphore_mem>>) src(%arg10 : memref<12288xf32, #tpu.memory_space<vmem>>) dst(%dma_wait3A_265 : memref<12288xf32, #tpu.memory_space<hbm>>)
      } else {
      }
      %mul3A_154 = arith.constant 32 : i32
      %mul3A_155 = arith.muli %arg0, %mul3A_154 : i32
      %add3A_156 = arith.addi %mul3A_155, %add3A_148 : i32
      %mul3A_157 = arith.constant 4 : i32
      %mul3A_158 = arith.muli %add3A_156, %mul3A_157 : i32
      %add3A_159 = arith.constant 0 : i32
      %add3A_160 = arith.addi %mul3A_158, %add3A_159 : i32
      %mul3A_161 = arith.constant 16 : i32
      %mul3A_162 = arith.muli %add3A_160, %mul3A_161 : i32
      %get3A_163 = arith.index_cast %mul3A_162 : i32 to index
      %get3A_164 = tpu.vector_load %arg8[%get3A_163] {strides = array<i32>} : memref<4096xi32, #tpu.memory_space<vmem>>, vector<16xi32>,
      %mul3A_165 = arith.constant 4 : i32
      %mul3A_166 = arith.muli %add3A_156, %mul3A_165 : i32
      %add3A_167 = arith.constant 1 : i32
      %add3A_168 = arith.addi %mul3A_166, %add3A_167 : i32
      %mul3A_169 = arith.constant 16 : i32
      %mul3A_170 = arith.muli %add3A_168, %mul3A_169 : i32
      %get3A_171 = arith.index_cast %mul3A_170 : i32 to index
      %get3A_172 = tpu.vector_load %arg8[%get3A_171] {strides = array<i32>} : memref<4096xi32, #tpu.memory_space<vmem>>, vector<16xi32>,
      %mul3A_173 = arith.constant 4 : i32
      %mul3A_174 = arith.muli %add3A_156, %mul3A_173 : i32
      %add3A_175 = arith.constant 2 : i32
      %add3A_176 = arith.addi %mul3A_174, %add3A_175 : i32
      %mul3A_177 = arith.constant 16 : i32
      %mul3A_178 = arith.muli %add3A_176, %mul3A_177 : i32
      %get3A_179 = arith.index_cast %mul3A_178 : i32 to index
      %get3A_180 = tpu.vector_load %arg8[%get3A_179] {strides = array<i32>} : memref<4096xi32, #tpu.memory_space<vmem>>, vector<16xi32>,
      %mul3A_181 = arith.constant 4 : i32
      %mul3A_182 = arith.muli %add3A_156, %mul3A_181 : i32
      %add3A_183 = arith.constant 3 : i32
      %add3A_184 = arith.addi %mul3A_182, %add3A_183 : i32
      %mul3A_185 = arith.constant 16 : i32
      %mul3A_186 = arith.muli %add3A_184, %mul3A_185 : i32
      %get3A_187 = arith.index_cast %mul3A_186 : i32 to index
      %get3A_188 = tpu.vector_load %arg8[%get3A_187] {strides = array<i32>} : memref<4096xi32, #tpu.memory_space<vmem>>, vector<16xi32>,
      %parallel_loop3A_189 = arith.constant 0 : i32
      %parallel_loop3A_190 = arith.constant 192 : i32
      %parallel_loop3A_191 = arith.constant 1 : i32
      scf.for %parallel_loop3A_228 = %parallel_loop3A_189 to %parallel_loop3A_190 step %parallel_loop3A_191  : i32 {
        %parallel_loop3A_229 = arith.constant 8 : i32
        %parallel_loop3A_230 = arith.divsi %parallel_loop3A_228, %parallel_loop3A_229 : i32
        %parallel_loop3A_231 = arith.constant 0 : i32
        %parallel_loop3A_232 = arith.cmpi sgt, %parallel_loop3A_228, %parallel_loop3A_231 : i32
        %parallel_loop3A_233 = arith.extui %parallel_loop3A_232 : i1 to i32
        %parallel_loop3A_234 = arith.constant 0 : i32
        %parallel_loop3A_235 = arith.cmpi slt, %parallel_loop3A_228, %parallel_loop3A_234 : i32
        %parallel_loop3A_236 = arith.extui %parallel_loop3A_235 : i1 to i32
        %parallel_loop3A_237 = arith.subi %parallel_loop3A_233, %parallel_loop3A_236 : i32
        %parallel_loop3A_238 = arith.constant 0 : i32
        %parallel_loop3A_239 = arith.cmpi sgt, %parallel_loop3A_229, %parallel_loop3A_238 : i32
        %parallel_loop3A_240 = arith.extui %parallel_loop3A_239 : i1 to i32
        %parallel_loop3A_241 = arith.constant 0 : i32
        %parallel_loop3A_242 = arith.cmpi slt, %parallel_loop3A_229, %parallel_loop3A_241 : i32
        %parallel_loop3A_243 = arith.extui %parallel_loop3A_242 : i1 to i32
        %parallel_loop3A_244 = arith.subi %parallel_loop3A_240, %parallel_loop3A_243 : i32
        %parallel_loop3A_245 = arith.cmpi ne, %parallel_loop3A_237, %parallel_loop3A_244 : i32
        %parallel_loop3A_246 = arith.remsi %parallel_loop3A_228, %parallel_loop3A_229 : i32
        %parallel_loop3A_247 = arith.constant 0 : i32
        %parallel_loop3A_248 = arith.cmpi ne, %parallel_loop3A_246, %parallel_loop3A_247 : i32
        %parallel_loop3A_249 = arith.andi %parallel_loop3A_245, %parallel_loop3A_248 : i1
        %parallel_loop3A_250 = arith.constant 1 : i32
        %parallel_loop3A_251 = arith.subi %parallel_loop3A_230, %parallel_loop3A_250 : i32
        %parallel_loop3A_252 = arith.select %parallel_loop3A_249, %parallel_loop3A_251, %parallel_loop3A_230 : i32
        %parallel_loop3A_253 = arith.constant 8 : i32
        %parallel_loop3A_254 = arith.muli %parallel_loop3A_252, %parallel_loop3A_253 : i32
        %parallel_loop3A_255 = arith.subi %parallel_loop3A_228, %parallel_loop3A_254 : i32
        %parallel_loop3A_256 = arith.constant 16 : i32
        %parallel_loop3A_257 = arith.muli %parallel_loop3A_228, %parallel_loop3A_256 : i32
        %parallel_loop3A_258 = arith.index_cast %parallel_loop3A_257 : i32 to index
        %parallel_loop3A_259 = tpu.vector_load %arg7[%parallel_loop3A_258] {strides = array<i32>} : memref<3072xi32, #tpu.memory_space<vmem>>, vector<16xi32>,
        %parallel_loop3A_260 = arith.addi %parallel_loop3A_259, %get3A_164 : vector<16xi32>
        %parallel_loop3A_261 = tpu.vector_load_idx %arg6[%parallel_loop3A_260] : memref<50176xf32, #tpu.memory_space<vmem>>[vector<16xi32>], vector<16xf32>,
        %parallel_loop3A_262 = arith.constant 512 : i32
        %parallel_loop3A_263 = arith.muli %parallel_loop3A_252, %parallel_loop3A_262 : i32
        %parallel_loop3A_264 = arith.constant 0 : i32
        %parallel_loop3A_265 = arith.addi %parallel_loop3A_263, %parallel_loop3A_264 : i32
        %parallel_loop3A_266 = arith.constant 16 : i32
        %parallel_loop3A_267 = arith.muli %parallel_loop3A_255, %parallel_loop3A_266 : i32
        %parallel_loop3A_268 = arith.addi %parallel_loop3A_265, %parallel_loop3A_267 : i32
        %parallel_loop3A_269 = arith.index_cast %parallel_loop3A_268 : i32 to index
        %parallel_loop3A_270 = tpu.vector_load %arg10[%parallel_loop3A_269] {strides = array<i32>} : memref<12288xf32, #tpu.memory_space<vmem>>, vector<16xf32>,
        tpu.vector_store %arg10[%parallel_loop3A_269], %parallel_loop3A_261 {strides = array<i32>} : memref<12288xf32, #tpu.memory_space<vmem>>, vector<16xf32>,
        %parallel_loop3A_271 = arith.addi %parallel_loop3A_259, %get3A_172 : vector<16xi32>
        %parallel_loop3A_272 = tpu.vector_load_idx %arg6[%parallel_loop3A_271] : memref<50176xf32, #tpu.memory_space<vmem>>[vector<16xi32>], vector<16xf32>,
        %parallel_loop3A_273 = arith.constant 512 : i32
        %parallel_loop3A_274 = arith.muli %parallel_loop3A_252, %parallel_loop3A_273 : i32
        %parallel_loop3A_275 = arith.constant 128 : i32
        %parallel_loop3A_276 = arith.addi %parallel_loop3A_274, %parallel_loop3A_275 : i32
        %parallel_loop3A_277 = arith.constant 16 : i32
        %parallel_loop3A_278 = arith.muli %parallel_loop3A_255, %parallel_loop3A_277 : i32
        %parallel_loop3A_279 = arith.addi %parallel_loop3A_276, %parallel_loop3A_278 : i32
        %parallel_loop3A_280 = arith.index_cast %parallel_loop3A_279 : i32 to index
        %parallel_loop3A_281 = tpu.vector_load %arg10[%parallel_loop3A_280] {strides = array<i32>} : memref<12288xf32, #tpu.memory_space<vmem>>, vector<16xf32>,
        tpu.vector_store %arg10[%parallel_loop3A_280], %parallel_loop3A_272 {strides = array<i32>} : memref<12288xf32, #tpu.memory_space<vmem>>, vector<16xf32>,
        %parallel_loop3A_282 = arith.addi %parallel_loop3A_259, %get3A_180 : vector<16xi32>
        %parallel_loop3A_283 = tpu.vector_load_idx %arg6[%parallel_loop3A_282] : memref<50176xf32, #tpu.memory_space<vmem>>[vector<16xi32>], vector<16xf32>,
        %parallel_loop3A_284 = arith.constant 512 : i32
        %parallel_loop3A_285 = arith.muli %parallel_loop3A_252, %parallel_loop3A_284 : i32
        %parallel_loop3A_286 = arith.constant 256 : i32
        %parallel_loop3A_287 = arith.addi %parallel_loop3A_285, %parallel_loop3A_286 : i32
        %parallel_loop3A_288 = arith.constant 16 : i32
        %parallel_loop3A_289 = arith.muli %parallel_loop3A_255, %parallel_loop3A_288 : i32
        %parallel_loop3A_290 = arith.addi %parallel_loop3A_287, %parallel_loop3A_289 : i32
        %parallel_loop3A_291 = arith.index_cast %parallel_loop3A_290 : i32 to index
        %parallel_loop3A_292 = tpu.vector_load %arg10[%parallel_loop3A_291] {strides = array<i32>} : memref<12288xf32, #tpu.memory_space<vmem>>, vector<16xf32>,
        tpu.vector_store %arg10[%parallel_loop3A_291], %parallel_loop3A_283 {strides = array<i32>} : memref<12288xf32, #tpu.memory_space<vmem>>, vector<16xf32>,
        %parallel_loop3A_293 = arith.addi %parallel_loop3A_259, %get3A_188 : vector<16xi32>
        %parallel_loop3A_294 = tpu.vector_load_idx %arg6[%parallel_loop3A_293] : memref<50176xf32, #tpu.memory_space<vmem>>[vector<16xi32>], vector<16xf32>,
        %parallel_loop3A_295 = arith.constant 512 : i32
        %parallel_loop3A_296 = arith.muli %parallel_loop3A_252, %parallel_loop3A_295 : i32
        %parallel_loop3A_297 = arith.constant 384 : i32
        %parallel_loop3A_298 = arith.addi %parallel_loop3A_296, %parallel_loop3A_297 : i32
        %parallel_loop3A_299 = arith.constant 16 : i32
        %parallel_loop3A_300 = arith.muli %parallel_loop3A_255, %parallel_loop3A_299 : i32
        %parallel_loop3A_301 = arith.addi %parallel_loop3A_298, %parallel_loop3A_300 : i32
        %parallel_loop3A_302 = arith.index_cast %parallel_loop3A_301 : i32 to index
        %parallel_loop3A_303 = tpu.vector_load %arg10[%parallel_loop3A_302] {strides = array<i32>} : memref<12288xf32, #tpu.memory_space<vmem>>, vector<16xf32>,
        tpu.vector_store %arg10[%parallel_loop3A_302], %parallel_loop3A_294 {strides = array<i32>} : memref<12288xf32, #tpu.memory_space<vmem>>, vector<16xf32>,
      } {sc.loop_unroll_factor = 8 : i64, sc.parallel_access}
      %mul3A_192 = arith.constant 32 : i32
      %mul3A_193 = arith.muli %arg0, %mul3A_192 : i32
      %add3A_194 = arith.addi %mul3A_193, %add3A_148 : i32
      %jit3A_195 = arith.constant 32 : i32
      %div3A_196 = arith.divsi %add3A_194, %jit3A_195 : i32
      %sign3A_197 = arith.constant 0 : i32
      %sign3A_198 = arith.cmpi sgt, %add3A_194, %sign3A_197 : i32
      %sign3A_199 = arith.extui %sign3A_198 : i1 to i32
      %sign3A_200 = arith.constant 0 : i32
      %sign3A_201 = arith.cmpi slt, %add3A_194, %sign3A_200 : i32
      %sign3A_202 = arith.extui %sign3A_201 : i1 to i32
      %sign3A_203 = arith.subi %sign3A_199, %sign3A_202 : i32
      %sign3A_204 = arith.constant 0 : i32
      %sign3A_205 = arith.cmpi sgt, %jit3A_195, %sign3A_204 : i32
      %sign3A_206 = arith.extui %sign3A_205 : i1 to i32
      %sign3A_207 = arith.constant 0 : i32
      %sign3A_208 = arith.cmpi slt, %jit3A_195, %sign3A_207 : i32
      %sign3A_209 = arith.extui %sign3A_208 : i1 to i32
      %sign3A_210 = arith.subi %sign3A_206, %sign3A_209 : i32
      %ne3A_211 = arith.cmpi ne, %sign3A_203, %sign3A_210 : i32
      %rem3A_212 = arith.remsi %add3A_194, %jit3A_195 : i32
      %ne3A_213 = arith.constant 0 : i32
      %ne3A_214 = arith.cmpi ne, %rem3A_212, %ne3A_213 : i32
      %and3A_215 = arith.andi %ne3A_211, %ne3A_214 : i1
      %sub3A_216 = arith.constant 1 : i32
      %sub3A_217 = arith.subi %div3A_196, %sub3A_216 : i32
      %select_n3A_218 = arith.select %and3A_215, %sub3A_217, %div3A_196 : i32
      %mul3A_219 = arith.constant 32 : i32
      %mul3A_220 = arith.muli %select_n3A_218, %mul3A_219 : i32
      %sub3A_221 = arith.subi %add3A_194, %mul3A_220 : i32
      %dma_start3A_222 = arith.constant 0 : i32
      %dma_start3A_223 = tpu.memref_slice %arg5[%arg1, %select_n3A_218, %sub3A_221, %dma_start3A_222] : memref<16x2x32x12288xf32, #tpu.memory_space<hbm>> -> memref<1x1x1x12288xf32, #tpu.memory_space<hbm>>
      %dma_start3A_224 = tpu.memref_squeeze %dma_start3A_223 : memref<1x1x1x12288xf32, #tpu.memory_space<hbm>> -> memref<12288xf32, #tpu.memory_space<hbm>>
      %dma_start3A_225 = arith.constant 0 : i32
      %dma_start3A_226 = tpu.memref_slice %arg5[%arg1, %select_n3A_218, %sub3A_221, %dma_start3A_225] : memref<16x2x32x12288xf32, #tpu.memory_space<hbm>> -> memref<1x1x1x12288xf32, #tpu.memory_space<hbm>>
      %dma_start3A_227 = tpu.memref_squeeze %dma_start3A_226 : memref<1x1x1x12288xf32, #tpu.memory_space<hbm>> -> memref<12288xf32, #tpu.memory_space<hbm>>
      tpu.enqueue_dma source(%arg10 : memref<12288xf32, #tpu.memory_space<vmem>>) target(%dma_start3A_227 : memref<12288xf32, #tpu.memory_space<hbm>>) target_semaphore(%arg12 : memref<!tpu.dma_semaphore, #tpu.memory_space<semaphore_mem>>)
    }
    %scan3A_3 = arith.constant 16 : i32
    %mul3A = arith.constant 32 : i32
    %mul3A_4 = arith.muli %arg0, %mul3A : i32
    %add3A = arith.constant 30 : i32
    %add3A_5 = arith.addi %mul3A_4, %add3A : i32
    %jit3A = arith.constant 32 : i32
    %div3A = arith.divsi %add3A_5, %jit3A : i32
    %sign3A = arith.constant 0 : i32
    %sign3A_6 = arith.cmpi sgt, %add3A_5, %sign3A : i32
    %sign3A_7 = arith.extui %sign3A_6 : i1 to i32
    %sign3A_8 = arith.constant 0 : i32
    %sign3A_9 = arith.cmpi slt, %add3A_5, %sign3A_8 : i32
    %sign3A_10 = arith.extui %sign3A_9 : i1 to i32
    %sign3A_11 = arith.subi %sign3A_7, %sign3A_10 : i32
    %sign3A_12 = arith.constant 0 : i32
    %sign3A_13 = arith.cmpi sgt, %jit3A, %sign3A_12 : i32
    %sign3A_14 = arith.extui %sign3A_13 : i1 to i32
    %sign3A_15 = arith.constant 0 : i32
    %sign3A_16 = arith.cmpi slt, %jit3A, %sign3A_15 : i32
    %sign3A_17 = arith.extui %sign3A_16 : i1 to i32
    %sign3A_18 = arith.subi %sign3A_14, %sign3A_17 : i32
    %ne3A = arith.cmpi ne, %sign3A_11, %sign3A_18 : i32
    %rem3A = arith.remsi %add3A_5, %jit3A : i32
    %ne3A_19 = arith.constant 0 : i32
    %ne3A_20 = arith.cmpi ne, %rem3A, %ne3A_19 : i32
    %and3A = arith.andi %ne3A, %ne3A_20 : i1
    %sub3A = arith.constant 1 : i32
    %sub3A_21 = arith.subi %div3A, %sub3A : i32
    %select_n3A = arith.select %and3A, %sub3A_21, %div3A : i32
    %mul3A_22 = arith.constant 32 : i32
    %mul3A_23 = arith.muli %select_n3A, %mul3A_22 : i32
    %sub3A_24 = arith.subi %add3A_5, %mul3A_23 : i32
    %dma_wait3A = arith.constant 0 : i32
    %dma_wait3A_25 = tpu.memref_slice %arg5[%arg1, %select_n3A, %sub3A_24, %dma_wait3A] : memref<16x2x32x12288xf32, #tpu.memory_space<hbm>> -> memref<1x1x1x12288xf32, #tpu.memory_space<hbm>>
    %dma_wait3A_26 = tpu.memref_squeeze %dma_wait3A_25 : memref<1x1x1x12288xf32, #tpu.memory_space<hbm>> -> memref<12288xf32, #tpu.memory_space<hbm>>
    %dma_wait3A_27 = arith.constant 0 : i32
    %dma_wait3A_28 = tpu.memref_slice %arg5[%arg1, %select_n3A, %sub3A_24, %dma_wait3A_27] : memref<16x2x32x12288xf32, #tpu.memory_space<hbm>> -> memref<1x1x1x12288xf32, #tpu.memory_space<hbm>>
    %dma_wait3A_29 = tpu.memref_squeeze %dma_wait3A_28 : memref<1x1x1x12288xf32, #tpu.memory_space<hbm>> -> memref<12288xf32, #tpu.memory_space<hbm>>
    tpu.wait_dma2 semaphore(%arg11 : memref<!tpu.dma_semaphore, #tpu.memory_space<semaphore_mem>>) src(%arg9 : memref<12288xf32, #tpu.memory_space<vmem>>) dst(%dma_wait3A_29 : memref<12288xf32, #tpu.memory_space<hbm>>)
    %mul3A_30 = arith.constant 32 : i32
    %mul3A_31 = arith.muli %arg0, %mul3A_30 : i32
    %add3A_32 = arith.constant 31 : i32
    %add3A_33 = arith.addi %mul3A_31, %add3A_32 : i32
    %jit3A_34 = arith.constant 32 : i32
    %div3A_35 = arith.divsi %add3A_33, %jit3A_34 : i32
    %sign3A_36 = arith.constant 0 : i32
    %sign3A_37 = arith.cmpi sgt, %add3A_33, %sign3A_36 : i32
    %sign3A_38 = arith.extui %sign3A_37 : i1 to i32
    %sign3A_39 = arith.constant 0 : i32
    %sign3A_40 = arith.cmpi slt, %add3A_33, %sign3A_39 : i32
    %sign3A_41 = arith.extui %sign3A_40 : i1 to i32
    %sign3A_42 = arith.subi %sign3A_38, %sign3A_41 : i32
    %sign3A_43 = arith.constant 0 : i32
    %sign3A_44 = arith.cmpi sgt, %jit3A_34, %sign3A_43 : i32
    %sign3A_45 = arith.extui %sign3A_44 : i1 to i32
    %sign3A_46 = arith.constant 0 : i32
    %sign3A_47 = arith.cmpi slt, %jit3A_34, %sign3A_46 : i32
    %sign3A_48 = arith.extui %sign3A_47 : i1 to i32
    %sign3A_49 = arith.subi %sign3A_45, %sign3A_48 : i32
    %ne3A_50 = arith.cmpi ne, %sign3A_42, %sign3A_49 : i32
    %rem3A_51 = arith.remsi %add3A_33, %jit3A_34 : i32
    %ne3A_52 = arith.constant 0 : i32
    %ne3A_53 = arith.cmpi ne, %rem3A_51, %ne3A_52 : i32
    %and3A_54 = arith.andi %ne3A_50, %ne3A_53 : i1
    %sub3A_55 = arith.constant 1 : i32
    %sub3A_56 = arith.subi %div3A_35, %sub3A_55 : i32
    %select_n3A_57 = arith.select %and3A_54, %sub3A_56, %div3A_35 : i32
    %mul3A_58 = arith.constant 32 : i32
    %mul3A_59 = arith.muli %select_n3A_57, %mul3A_58 : i32
    %sub3A_60 = arith.subi %add3A_33, %mul3A_59 : i32
    %dma_wait3A_61 = arith.constant 0 : i32
    %dma_wait3A_62 = tpu.memref_slice %arg5[%arg1, %select_n3A_57, %sub3A_60, %dma_wait3A_61] : memref<16x2x32x12288xf32, #tpu.memory_space<hbm>> -> memref<1x1x1x12288xf32, #tpu.memory_space<hbm>>
    %dma_wait3A_63 = tpu.memref_squeeze %dma_wait3A_62 : memref<1x1x1x12288xf32, #tpu.memory_space<hbm>> -> memref<12288xf32, #tpu.memory_space<hbm>>
    %dma_wait3A_64 = arith.constant 0 : i32
    %dma_wait3A_65 = tpu.memref_slice %arg5[%arg1, %select_n3A_57, %sub3A_60, %dma_wait3A_64] : memref<16x2x32x12288xf32, #tpu.memory_space<hbm>> -> memref<1x1x1x12288xf32, #tpu.memory_space<hbm>>
    %dma_wait3A_66 = tpu.memref_squeeze %dma_wait3A_65 : memref<1x1x1x12288xf32, #tpu.memory_space<hbm>> -> memref<12288xf32, #tpu.memory_space<hbm>>
    tpu.wait_dma2 semaphore(%arg12 : memref<!tpu.dma_semaphore, #tpu.memory_space<semaphore_mem>>) src(%arg10 : memref<12288xf32, #tpu.memory_space<vmem>>) dst(%dma_wait3A_66 : memref<12288xf32, #tpu.memory_space<hbm>>)
    return
  }
}

</mosaic_0001>

<sc_bundles>
// kernel: kernel.3.cloned.1.call-start
scs
__scs_entry_jumppad:
0x0: {  	(pc) =	sbr.rel $0x88, $3  }
0x1: {  	(tag) =	ssettag $0x0;
	lr =	simm.s32 $0x1  }
0x2: {  	[smem:$0x3F9F] =	sst lr;
	_ =	strace $0xD0000000  }
0x3: {  	_ = 	snop  }
0x4: {  	_ = 	snop  }
0x5: {  	_ = 	snop  }
0x6: {  	_ = 	snop  }
0x7: {  	_ = 	snop  }
__scs_overlays_trampoline_lowered:
0x8: {  	[smem:$0x3FAE] =	sst s0  }
0x9: {  	[smem:$0x3FAF] =	sst s1  }
0xa: {  	[smem:$0x3FB0] =	sst s2  }
0xb: {  	[smem:$0x3FB1] =	sst s3  }
0xc: {  	[smem:$0x3FB2] =	sst s4  }
0xd: {  	[smem:$0x3FB3] =	sst s5  }
0xe: {  	[smem:$0x3FB4] =	sst s6  }
0xf: {  	[smem:$0x3FB5] =	sst s7  }
0x10: {  	[smem:$0x3FB6] =	sst s8  }
0x11: {  	[smem:$0x3FB7] =	sst s9;
	s0 =	simm.s32 @!p0 $0x0  }
0x12: {  	s1 =	sld [smem:$0x3F9D];
	s0 =	simm.s32 @p0 $0x1  }
0x13: {  	[smem:$0x3FB8] =	sst s0;
	s0 =	simm.s32 @!p1 $0x0  }
0x14: {  	s2 =	sld [smem:$0x3F9C];
	s0 =	simm.s32 @p1 $0x1  }
0x15: {  	[smem:$0x3FB9] =	sst s0;
	s0 =	simm.s32 @!p2 $0x0  }
0x16: {  	s3 =	sld [smem:$0x3FDB];
	s0 =	simm.s32 @p2 $0x1  }
0x17: {  	s4 =	simm.s32 $0x1BF5;
	[smem:$0x3FBB] =	sst s0  }
0x18: {  	s0 =	sld [smem:$0x3F9E];
	_ =	swait.ge [sflag:s4], $0x0  }
0x19: {  	s7 =	sld [smem:$0x3F9F]  }
0x1a: {  	s8 =	sadd.s32 $0xFFFFE003, lr  }
0x1b: {  	s9 =	sadd.s32 $0xFFFFFEF7, lr;
	s5 =	simm.s32 $0xFFFFFFFF;
	p2 =	slt.u32 s8, $0xFFFFF086  }
0x1c: {  	p1 =	slt.u32 s9, $0xF7A;
	s5 =	simm.s32 @!p2 $0x0  }
0x1d: {  	s5 =	simm.s32 @p1 $0x1;
	p0 =	seq.s32 s7, s2  }
0x1e: {  	s7 =	smul.u32 @!p0 $0xF7A, s2;
	p2 =	seq.s32 @!p0 s5, $0x0  }
0x1f: {  	s9 =	smul.u32 $0xF7A, s1;
	s8 =	simm.s32 @!p0 $0x1BF5;
	p2 =	por !p2, p0  }
0x20: {  	[sflag:s8] =	ssyncset.s32 @!p0 $0xFFFFF086;
	s6 =	sadd.s32 @!p0 s3, s7;
	s7 =	simm.s32 @!p0 $0x108  }
0x21: {  	s3 =	sadd.s32 s3, s9;
	s6 =	sadd.s32 @!p0 $0x88, s6;
	s7 =	simm.s32 @p2 $0x1082  }
0x22: {  	[simem:s7], [sflag:s8] =	dma.local @!p0 [hbm:s6], $0xF7A  }
0x23: {  	s9 =	sor.u32 $0xD0000000, s2;
	s6 =	simm.s32 $0x108;
	_ =	swait.ge @!p0 [sflag:s8], $0x0  }
0x24: {  	s3 =	sadd.s32 $0x88, s3;
	s6 =	simm.s32 @!p1 $0x1082;
	[sflag:s4] =	ssyncset.s32 $0xFFFFF086  }
0x25: {  	[simem:s6], [sflag:s4] =	dma.local [hbm:s3], $0xF7A  }
0x26: {  	[smem:$0x3F9F] =	sst s1;
	(tag) =	ssettag s2;
	_ =	strace s9  }
0x27: {  	s1 =	sld [smem:$0x3FAF]  }
0x28: {  	s2 =	sld [smem:$0x3FB0]  }
0x29: {  	s4 =	sld [smem:$0x3FB2]  }
0x2a: {  	p0 =	seq.s32 s5, $0x0;
	s5 =	sld [smem:$0x3FB3]  }
0x2b: {  	s6 =	sld [smem:$0x3FB4]  }
0x2c: {  	s7 =	sld [smem:$0x3FB5]  }
0x2d: {  	s3 =	simm.s32 $0x108;
	s8 =	sld [smem:$0x3FB6]  }
0x2e: {  	s3 =	simm.s32 @!p0 $0x1082;
	s9 =	sld [smem:$0x3FB7]  }
0x2f: {  	lr =	sadd.s32 s0, s3;
	s0 =	sld [smem:$0x3FAE]  }
0x30: {  	s3 =	sld [smem:$0x3FB1]  }
0x31: {  	[smem:$0x3FBA] =	sst s10  }
0x32: {  	s10 =	sld [smem:$0x3FB8];
	_ =	sdelay $0x3  }
0x33: {  	p0 =	seq.s32 s10, $0x1;
	s10 =	sld [smem:$0x3FBA];
	_ =	sdelay $0x3  }
0x34: {  	[smem:$0x3FBA] =	sst s10  }
0x35: {  	s10 =	sld [smem:$0x3FB9];
	_ =	sdelay $0x3  }
0x36: {  	p1 =	seq.s32 s10, $0x1;
	s10 =	sld [smem:$0x3FBA];
	_ =	sdelay $0x3  }
0x37: {  	[smem:$0x3FBA] =	sst s10  }
0x38: {  	s10 =	sld [smem:$0x3FBB]  }
0x39: {  	_ = 	snop;
	(pc) =	sbr.ind lr, $3  }
0x3a: {  	_ = 	snop  }
0x3b: {  	_ = 	snop  }
0x3c: {  	p2 =	seq.s32 s10, $0x1;
	s10 =	sld [smem:$0x3FBA]  }
0x3d: {  	_ =	shalt  }
0x3e: {  	_ =	shalt  }
0x3f: {  	_ =	shalt  }
0x40: {  	_ =	shalt  }
0x41: {  	_ =	shalt  }
0x42: {  	_ =	shalt  }
0x43: {  	_ =	shalt  }
0x44: {  	_ =	shalt  }
0x45: {  	_ =	shalt  }
0x46: {  	_ =	shalt  }
0x47: {  	_ =	shalt  }
0x48: {  	_ =	shalt  }
0x49: {  	_ =	shalt  }
0x4a: {  	_ =	shalt  }
0x4b: {  	_ =	shalt  }
0x4c: {  	_ =	shalt  }
0x4d: {  	_ =	shalt  }
0x4e: {  	_ =	shalt  }
0x4f: {  	_ =	shalt  }
0x50: {  	_ =	shalt  }
0x51: {  	_ =	shalt  }
0x52: {  	_ =	shalt  }
0x53: {  	_ =	shalt  }
0x54: {  	_ =	shalt  }
0x55: {  	_ =	shalt  }
0x56: {  	_ =	shalt  }
0x57: {  	_ =	shalt  }
0x58: {  	_ =	shalt  }
0x59: {  	_ =	shalt  }
0x5a: {  	_ =	shalt  }
0x5b: {  	_ =	shalt  }
0x5c: {  	_ =	shalt  }
0x5d: {  	_ =	shalt  }
0x5e: {  	_ =	shalt  }
0x5f: {  	_ =	shalt  }
0x60: {  	_ =	shalt  }
0x61: {  	_ =	shalt  }
0x62: {  	_ =	shalt  }
0x63: {  	_ =	shalt  }
0x64: {  	_ =	shalt  }
0x65: {  	_ =	shalt  }
0x66: {  	_ =	shalt  }
0x67: {  	_ =	shalt  }
0x68: {  	_ =	shalt  }
0x69: {  	_ =	shalt  }
0x6a: {  	_ =	shalt  }
0x6b: {  	_ =	shalt  }
0x6c: {  	_ =	shalt  }
0x6d: {  	_ =	shalt  }
0x6e: {  	_ =	shalt  }
0x6f: {  	_ =	shalt  }
0x70: {  	_ =	shalt  }
0x71: {  	_ =	shalt  }
0x72: {  	_ =	shalt  }
0x73: {  	_ =	shalt  }
0x74: {  	_ =	shalt  }
0x75: {  	_ =	shalt  }
0x76: {  	_ =	shalt  }
0x77: {  	_ =	shalt  }
0x78: {  	_ =	shalt  }
0x79: {  	_ =	shalt  }
0x7a: {  	_ =	shalt  }
0x7b: {  	_ =	shalt  }
0x7c: {  	_ =	shalt  }
0x7d: {  	_ =	shalt  }
0x7e: {  	_ =	shalt  }
0x7f: {  	_ =	shalt  }
0x80: {  	_ =	shalt  }
0x81: {  	_ =	shalt  }
0x82: {  	_ =	shalt  }
0x83: {  	_ =	shalt  }
0x84: {  	_ =	shalt  }
0x85: {  	_ =	shalt  }
0x86: {  	_ =	shalt  }
0x87: {  	_ =	shalt  }
.Lfunc_end0:
.L_simem_size_0:
called_computation_lowered:
.L_overlay_start_0:
0x88: {  	s2 =	sld [smem:$0x3FD9]  }
0x89: {  	s3 =	sld [smem:$0x3FFE];
	_ =	sdelay $0x1  }
0x8a: {  	s1 =	srdreg.scid  }
0x8b: {  	s0 =	sand.u32 $0x1, s1  }
0x8c: {  	s17 =	sshll.u32 s0, $0xA;
	s2 =	sadd.s32 s3, s2  }
0x8d: {  	s2 =	sadd.s32 s2, s17  }
0x8e: {  	[smem:$0x3FC6] =	sst s2  }
0x8f: {  	_ = 	snop  }
0x90: {  	s2 =	sld [smem:$0x3FD0];
	(tm) =	ssettm $0x1  }
0x91: {  	s18 =	sld [smem:$0x3FFB];
	_ =	sdelay $0x3  }
0x92: {  	_ =	strace s18  }
0x93: {  	s3 =	sld [smem:$0x3FFC];
	_ =	sdelay $0x3  }
0x94: {  	_ =	strace s3  }
0x95: {  	s3 =	sld [smem:$0x3FFD];
	_ =	sdelay $0x3  }
0x96: {  	_ =	strace s3  }
0x97: {  	_ =	strace $0x8FFFFFFF  }
0x98: {  	s19 =	sld [smem:$0x3FDB];
	_ =	sdelay $0x1  }
0x99: {  	s4 =	simm.s32 $_scs_section_size  }
0x9a: {  	s5 =	simm.s32 $_size__tile_overlayer_lowered;
	s6 =	simm.s32 $_tile_overlayer_lowered  }
0x9b: {  	s22 =	simm.s32 $0x1BFF;
	s21 =	sshll.u32 s6, $0x1;
	s3 =	sadd.s32 s4, s19  }
0x9c: {  	s7 =	simm.s32 $0x0;
	s20 =	sshll.u32 s5, $0x1;
	s5 =	sadd.s32 s21, s3  }
0x9d: {  	[timem:s7], [sflag:s22] =	dma.local [hbm:s5], s20  }
0x9e: {  	_ =	swait.ge [sflag:s22], s20  }
0x9f: {  	s4 =	ssub.s32 $0x0, s20;
	[sflag:s22] =	ssyncset.done $0x0  }
0xa0: {  	[sflag:s22] =	ssyncadd.s32 s4;
	_ =	sdelay $0x1  }
0xa1: {  	s23 =	simm.s32 $0x1B8B  }
0xa2: {  	_ =	swait.ge [sflag:s23], $0x1  }
0xa3: {  	[sflag:s23] =	ssyncset.done $0x0  }
0xa4: {  	s25 =	simm.s32 $0x1B8E;
	s24 =	sld [smem:$0x3FFE];
	[sflag:s23] =	ssyncadd.s32 $0xFFFFFFFF  }
0xa5: {  	s26 =	simm.s32 $execute0_lowered;
	[smem:$0x3FD2] =	sst s25  }
0xa6: {  	s5 =	sshll.u32 s26, $0x1;
	_ =	strace $0x80000046;
	[dreg:$0x1] =	wrdreg $0xFFFFFFFF  }
0xa7: {  	s28 =	simm.s32 $_size_execute0_lowered;
	s3 =	sadd.s32 s3, s5;
	[dreg:$0x0] =	wrdreg $0x0  }
0xa8: {  	s5 =	sshll.u32 s28, $0x1;
	[dreg:$0x2] =	wrdreg s3  }
0xa9: {  	[dreg:$0x3] =	wrdreg s5  }
0xaa: {  	[dreg:$0x4] =	wrdreg $0xC0  }
0xab: {  	_ =	task [dreg:s7], $0x5FFFF  }
0xac: {  	[dreg:$0x1] =	wrdreg $0xFFFFFFFF  }
0xad: {  	[dreg:$0x0] =	wrdreg $0x60  }
0xae: {  	[dreg:$0x2] =	wrdreg s24  }
0xaf: {  	[dreg:$0x3] =	wrdreg s2  }
0xb0: {  	[dreg:$0x4] =	wrdreg $0x9  }
0xb1: {  	_ =	task.clear_ibuf [dreg:s7], $0x5FFFF;
	_ =	strace $0x90000046  }
0xb2: {  	s29 =	simm.s32 $0x9;
	_ =	strace $0x80000048  }
0xb3: {  	_ =	swait.ge [sflag:s29], $0x1  }
0xb4: {  	[sflag:s29] =	ssyncadd.s32 $0xFFFFFFFF  }
0xb5: {  	_ =	strace $0x90000048  }
0xb6: {  	_ =	sfence  }
0xb7: {  	s30 =	sld [smem:$0x0];
	_ =	sdelay $0x2  }
0xb8: {  	s31 =	sshll.u32 s1, $0xD;
	s1 =	sshrl.u32 s1, $0x2  }
0xb9: {  	s3 =	sand.u32 $0x4000, s31;
	s1 =	sadd.s32 s1, s30  }
0xba: {  	s0 =	sor.u32 s3, s0;
	s1 =	sshll.u32 s1, $0x11  }
0xbb: {  	s0 =	sor.u32 s1, s0  }
0xbc: {  	s0 =	sadd.s32 $0x8F2B, s0  }
0xbd: {  	[sflag:s0] =	ssyncadd.remote.s32 $0x1  }
0xbe: {  	_ =	sfence.sel $0xFFFF  }
0xbf: {  	[dreg:$0x0] =	wrdreg $0xFFFFFFFF;
	(pc) =	sbr.abs _section_cstart, $3  }
0xc0: {  	[dreg:$0x1] =	wrdreg $0xFFFFFFFF  }
0xc1: {  	_ =	task.clear_ibuf [dreg:s7], $0x2FFFF;
	_ =	strace $0x9FFFFFFF  }
0xc2: {  	(tm) =	ssettm $0x7FFFFFFF  }
0xc3: {  	_ =	shalt  }
tec
execute0_lowered:
.L_overlay_start_1:
0x0: {  	(tag) =	ssettag $0x1  }
0x1: {  	s2 =	rddreg [dreg:$0x0]  }
0x2: {  	s3 =	rddreg [dreg:$0x1]  }
0x3: {  	s0 =	rddreg [dreg:$0x2]  }
0x4: {  	s1 =	stileid.u32;
	s5 =	srdreg.scid  }
0x5: {  	s4 =	simm.s32 $0x0;
	s13 =	simm.s32 $0xC400;
	s14 =	simm.s32 $0xD000  }
0x6: {  	s15 =	simm.s32 $0x1;
	s16 =	simm.s32 $0xE000;
	s17 =	simm.s32 $0x11000  }
0x7: {  	s18 =	simm.s32 $0x2;
	s19 =	simm.s32 $0x0;
	s7 =	smul.u32 $0x1880, s1  }
0x8: {  	s5 =	sand.u32 $0x1, s5;
	[smem:$0x7FF] =	sst s4;
	s6 =	smul.u32 $0xC0000, s1  }
0x9: {  	s8 =	ssub.s32 $0x2, s5;
	_ =	strace $0x80000047;
	s10 =	smul.u32 $0x60000, s5  }
0xa: {  	s9 =	sshrl.u32 s8, $0x1;
	s11 =	sadd.s32 s7, s2;
	s7 =	sadd.s32 $0x200, s2  }
0xb: {  	s12 =	ssub.s32 s8, s9;
	s8 =	sadd.s32 $0x400, s11;
	s9 =	sshll.u32 s5, $0x5  }
0xc: {  	s10 =	sadd.s32 s10, s6;
	s11 =	smax.u32 s12, $0x1;
	s12 =	simm.s32 $0x3  }
.LBB2_1:
0xd: {  	[tilespmem:s4], [sflag:$0x3] =	stream.linear.gather [hbm4b:s8+s4], $0xC400, $0x38;
	[tilespmem:$0x14000] =	vst v63  }
0xe: {  	_ =	swait.ge [sflag:s12], $0xC400  }
0xf: {  	[sflag:s12] =	ssyncset.done $0x0  }
0x10: {  	[sflag:s12] =	ssyncadd.s32 $0xFFFF3C00  }
0x11: {  	[tilespmem:s13], [sflag:$0x3] =	stream.linear.gather [hbm4b:s2+s4], $0xC00, $0x38;
	[tilespmem:$0x14000] =	vst v63  }
0x12: {  	_ =	swait.ge [sflag:s12], $0xC00  }
0x13: {  	[sflag:s12] =	ssyncset.done $0x0  }
0x14: {  	[sflag:s12] =	ssyncadd.s32 $0xFFFFF400  }
0x15: {  	[tilespmem:s14], [sflag:$0x3] =	stream.linear.gather [hbm4b:s7+s4], $0x1000, $0x38;
	[tilespmem:$0x14000] =	vst v63  }
0x16: {  	_ =	swait.ge [sflag:s12], $0x1000  }
0x17: {  	[sflag:s12] =	ssyncset.done $0x0  }
0x18: {  	s20 =	simm.s32 $0x0;
	[sflag:s12] =	ssyncadd.s32 $0xFFFFF000  }
.LBB2_2:
0x19: {  	p0 =	seq.s32 s20, $0x0  }
0x1a: {  	s21 =	sshll.u32 s20, $0x1;
	s22 =	simm.s32 @!p0 $0x1  }
0x1b: {  	s21 =	sor.u32 s9, s21;
	_ =	swait.ge @!p0 [sflag:s22], $0x3000  }
0x1c: {  	s23 =	sshll.u32 s21, $0x6;
	[sflag:s22] =	ssyncset.done @!p0 $0x0  }
0x1d: {  	s29 =	sand.u32 $0x3FFFFFC0, s23;
	[sflag:s22] =	ssyncadd.s32 @!p0 $0xFFFFD000  }
0x1e: {  	v0 =	vld [tilespmem:s29+$0xD000]  }
0x1f: {  	s30 =	simm.s32 $0xC440;
	v1 =	vld [tilespmem:s29+$0xD010]  }
0x20: {  	v4 =	vld [tilespmem:s30+$0x30]  }
0x21: {  	v5 =	vld [tilespmem:s30+$0xFFFFFFD0]  }
0x22: {  	v6 =	vld [tilespmem:s30+$0xFFFFFFE0]  }
0x23: {  	v7 =	vld [tilespmem:s30+$0xFFFFFFF0]  }
0x24: {  	v8 =	vld [tilespmem:s30+$0x0]  }
0x25: {  	v9 =	vld [tilespmem:s30+$0x10]  }
0x26: {  	v12 =	vld [tilespmem:s30+$0x20]  }
0x27: {  	v2 =	vld [tilespmem:s29+$0xD020]  }
0x28: {  	v14 =	vld [tilespmem:s30+$0xFFFFFFC0]  }
0x29: {  	s31 =	simm.s32 $0xC4C0;
	v3 =	vld [tilespmem:s29+$0xD030]  }
0x2a: {  	v43 =	vld [tilespmem:s31+$0xFFFFFFE0];
	v10 =	vadd.s32 v0, v4  }
0x2b: {  	v44 =	vld [tilespmem:s31+$0xFFFFFFF0];
	v11 =	vadd.s32 v0, v5  }
0x2c: {  	v45 =	vld [tilespmem:s31+$0x0];
	v13 =	vadd.s32 v0, v6  }
0x2d: {  	v46 =	vld [tilespmem:s31+$0x10];
	v15 =	vadd.s32 v0, v7  }
0x2e: {  	v49 =	vld [tilespmem:s31+$0x20];
	v16 =	vadd.s32 v0, v8  }
0x2f: {  	v17 =	vadd.s32 v0, v9;
	v10 =	vld.idx.msk [tilespmem:v10+s4+$0x0], $0xffff  }
0x30: {  	v18 =	vadd.s32 v0, v12;
	v11 =	vld.idx.msk [tilespmem:v11+s4+$0x0], $0xffff  }
0x31: {  	v20 =	vadd.s32 v0, v14;
	v13 =	vld.idx.msk [tilespmem:v13+s4+$0x0], $0xffff  }
0x32: {  	v19 =	vadd.s32 v1, v4;
	v15 =	vld.idx.msk [tilespmem:v15+s4+$0x0], $0xffff  }
0x33: {  	v21 =	vadd.s32 v1, v5;
	v16 =	vld.idx.msk [tilespmem:v16+s4+$0x0], $0xffff  }
0x34: {  	s22 =	simm.s32 $0xE100;
	v22 =	vadd.s32 v1, v6;
	v17 =	vld.idx.msk [tilespmem:v17+s4+$0x0], $0xffff  }
0x35: {  	v23 =	vadd.s32 v1, v7;
	v18 =	vld.idx.msk [tilespmem:v18+s4+$0x0], $0xffff;
	[tilespmem:s22+$0xFFFFFF70] =	vst v10  }
0x36: {  	v24 =	vadd.s32 v1, v9;
	[tilespmem:s22+$0xFFFFFF10] =	vst v11;
	v11 =	vld.idx.msk [tilespmem:v20+s4+$0x0], $0xffff  }
0x37: {  	v10 =	vadd.s32 v1, v8;
	[tilespmem:s22+$0xFFFFFF20] =	vst v13;
	v19 =	vld.idx.msk [tilespmem:v19+s4+$0x0], $0xffff  }
0x38: {  	v30 =	vadd.s32 v1, v14;
	[tilespmem:s22+$0xFFFFFF30] =	vst v15;
	v13 =	vld.idx.msk [tilespmem:v21+s4+$0x0], $0xffff  }
0x39: {  	v31 =	vadd.s32 v1, v12;
	[tilespmem:s22+$0xFFFFFF40] =	vst v16;
	v15 =	vld.idx.msk [tilespmem:v22+s4+$0x0], $0xffff  }
0x3a: {  	v29 =	vadd.s32 v2, v4;
	[tilespmem:s22+$0xFFFFFF50] =	vst v17;
	v32 =	vld.idx.msk [tilespmem:v23+s4+$0x0], $0xffff  }
0x3b: {  	v33 =	vadd.s32 v2, v5;
	[tilespmem:s22+$0xFFFFFF60] =	vst v18;
	v24 =	vld.idx.msk [tilespmem:v24+s4+$0x0], $0xffff  }
0x3c: {  	v34 =	vadd.s32 v2, v6;
	v10 =	vld.idx.msk [tilespmem:v10+s4+$0x0], $0xffff;
	[tilespmem:s22+$0xFFFFFF00] =	vst v11  }
0x3d: {  	v35 =	vadd.s32 v2, v7;
	[tilespmem:s22+$0xFFFFFFF0] =	vst v19;
	v37 =	vld.idx.msk [tilespmem:v30+s4+$0x0], $0xffff  }
0x3e: {  	v36 =	vadd.s32 v2, v8;
	[tilespmem:s22+$0xFFFFFF90] =	vst v13;
	v13 =	vld.idx.msk [tilespmem:v31+s4+$0x0], $0xffff  }
0x3f: {  	v39 =	vadd.s32 v2, v9;
	[tilespmem:s22+$0xFFFFFFA0] =	vst v15;
	v11 =	vld.idx.msk [tilespmem:v29+s4+$0x0], $0xffff  }
0x40: {  	v38 =	vadd.s32 v2, v14;
	[tilespmem:s22+$0xFFFFFFB0] =	vst v32;
	v15 =	vld.idx.msk [tilespmem:v33+s4+$0x0], $0xffff  }
0x41: {  	v41 =	vadd.s32 v2, v12;
	[tilespmem:s22+$0xFFFFFFD0] =	vst v24;
	v40 =	vld.idx.msk [tilespmem:v34+s4+$0x0], $0xffff  }
0x42: {  	v4 =	vadd.s32 v3, v4;
	[tilespmem:s22+$0xFFFFFFC0] =	vst v10;
	v10 =	vld.idx.msk [tilespmem:v35+s4+$0x0], $0xffff  }
0x43: {  	v5 =	vadd.s32 v3, v5;
	v42 =	vld.idx.msk [tilespmem:v36+s4+$0x0], $0xffff;
	[tilespmem:s22+$0xFFFFFF80] =	vst v37  }
0x44: {  	v7 =	vadd.s32 v3, v7;
	[tilespmem:s22+$0xFFFFFFE0] =	vst v13;
	v13 =	vld.idx.msk [tilespmem:v39+s4+$0x0], $0xffff  }
0x45: {  	[tilespmem:s22+$0x70] =	vst v11;
	v11 =	vld.idx.msk [tilespmem:v38+s4+$0x0], $0xffff  }
0x46: {  	v8 =	vadd.s32 v3, v8;
	[tilespmem:s22+$0x10] =	vst v15;
	v15 =	vld.idx.msk [tilespmem:v41+s4+$0x0], $0xffff  }
0x47: {  	v4 =	vld.idx.msk [tilespmem:v4+s4+$0x0], $0xffff  }
0x48: {  	v14 =	vadd.s32 v3, v14;
	v5 =	vld.idx.msk [tilespmem:v5+s4+$0x0], $0xffff;
	[tilespmem:s22+$0x30] =	vst v10  }
0x49: {  	[tilespmem:s22+$0x40] =	vst v42;
	v7 =	vld.idx.msk [tilespmem:v7+s4+$0x0], $0xffff  }
0x4a: {  	v9 =	vadd.s32 v3, v9;
	[tilespmem:s22+$0x50] =	vst v13;
	v13 =	vld [tilespmem:s31+$0xFFFFFFC0]  }
0x4b: {  	v51 =	vadd.s32 v0, v45;
	v8 =	vld.idx.msk [tilespmem:v8+s4+$0x0], $0xffff  }
0x4c: {  	v6 =	vadd.s32 v3, v6;
	[tilespmem:s22+$0x0] =	vst v11;
	v11 =	vld [tilespmem:s31+$0x30]  }
0x4d: {  	v12 =	vadd.s32 v3, v12;
	v10 =	vld.idx.msk [tilespmem:v14+s4+$0x0], $0xffff  }
0x4e: {  	[tilespmem:s22+$0x60] =	vst v15;
	v15 =	vadd.s32 v0, v44;
	v14 =	vld [tilespmem:s31+$0xFFFFFFD0]  }
0x4f: {  	v50 =	vadd.s32 v0, v43;
	[tilespmem:s22+$0x20] =	vst v40;
	v9 =	vld.idx.msk [tilespmem:v9+s4+$0x0], $0xffff  }
0x50: {  	v54 =	vld.idx.msk [tilespmem:v51+s4+$0x0], $0xffff;
	[tilespmem:s22+$0x90] =	vst v5;
	v5 =	vadd.s32 v0, v46  }
0x51: {  	v6 =	vld.idx.msk [tilespmem:v6+s4+$0x0], $0xffff;
	[tilespmem:s22+$0xF0] =	vst v4;
	v47 =	vadd.s32 v0, v11  }
0x52: {  	v4 =	vld.idx.msk [tilespmem:v12+s4+$0x0], $0xffff;
	[tilespmem:s22+$0xC0] =	vst v8;
	v8 =	vadd.s32 v0, v13  }
0x53: {  	[tilespmem:s22+$0xB0] =	vst v7;
	v15 =	vld.idx.msk [tilespmem:v15+s4+$0x0], $0xffff;
	v48 =	vadd.s32 v0, v14  }
0x54: {  	v7 =	vld.idx.msk [tilespmem:v50+s4+$0x0], $0xffff;
	[tilespmem:s22+$0xD0] =	vst v9;
	v9 =	vadd.s32 v1, v44  }
0x55: {  	v52 =	vadd.s32 v0, v49;
	v5 =	vld.idx.msk [tilespmem:v5+s4+$0x0], $0xffff  }
0x56: {  	v55 =	vadd.s32 v1, v43;
	[tilespmem:s22+$0xA0] =	vst v6;
	v12 =	vld.idx.msk [tilespmem:v47+s4+$0x0], $0xffff  }
0x57: {  	s23 =	simm.s32 $0xE300;
	v56 =	vadd.s32 v1, v46;
	[tilespmem:s22+$0x80] =	vst v10;
	v8 =	vld.idx.msk [tilespmem:v8+s4+$0x0], $0xffff  }
0x58: {  	v53 =	vadd.s32 v1, v11;
	[tilespmem:s23+$0xFFFFFF30] =	vst v15;
	v6 =	vld.idx.msk [tilespmem:v48+s4+$0x0], $0xffff  }
0x59: {  	[tilespmem:s23+$0xFFFFFF20] =	vst v7;
	v15 =	vadd.s32 v1, v13;
	v9 =	vld.idx.msk [tilespmem:v9+s4+$0x0], $0xffff  }
0x5a: {  	v20 =	vld.idx.msk [tilespmem:v52+s4+$0x0], $0xffff;
	v10 =	vadd.s32 v1, v14;
	[tilespmem:s23+$0xFFFFFF50] =	vst v5  }
0x5b: {  	v24 =	vld.idx.msk [tilespmem:v55+s4+$0x0], $0xffff;
	[tilespmem:s23+$0xFFFFFF70] =	vst v12  }
0x5c: {  	v58 =	vadd.s32 v2, v43;
	v21 =	vld.idx.msk [tilespmem:v56+s4+$0x0], $0xffff;
	[tilespmem:s23+$0xFFFFFF00] =	vst v8  }
0x5d: {  	v12 =	vadd.s32 v1, v45;
	[tilespmem:s23+$0xFFFFFF10] =	vst v6;
	v6 =	vld.idx.msk [tilespmem:v53+s4+$0x0], $0xffff  }
0x5e: {  	v15 =	vld.idx.msk [tilespmem:v15+s4+$0x0], $0xffff;
	[tilespmem:s23+$0xFFFFFFB0] =	vst v9;
	v9 =	vadd.s32 v2, v46  }
0x5f: {  	[tilespmem:s23+$0xFFFFFF40] =	vst v54;
	v7 =	vld.idx.msk [tilespmem:v10+s4+$0x0], $0xffff;
	v10 =	vadd.s32 v2, v11  }
0x60: {  	v59 =	vadd.s32 v2, v13;
	[tilespmem:s23+$0xFFFFFFA0] =	vst v24  }
0x61: {  	v57 =	vadd.s32 v1, v49;
	[tilespmem:s23+$0xFFFFFF60] =	vst v20;
	v20 =	vld.idx.msk [tilespmem:v58+s4+$0x0], $0xffff  }
0x62: {  	v5 =	vadd.s32 v2, v14;
	[tilespmem:s23+$0xFFFFFFD0] =	vst v21;
	v12 =	vld.idx.msk [tilespmem:v12+s4+$0x0], $0xffff  }
0x63: {  	[tilespmem:s23+$0xFFFFFFF0] =	vst v6;
	v6 =	vadd.s32 v2, v44;
	v63 =	vld.idx.msk [tilespmem:v9+s4+$0x0], $0xffff  }
0x64: {  	[tilespmem:s23+$0xFFFFFF80] =	vst v15;
	v8 =	vld.idx.msk [tilespmem:v10+s4+$0x0], $0xffff;
	v10 =	vadd.s32 v2, v45  }
0x65: {  	v11 =	vadd.s32 v3, v11;
	v62 =	vld.idx.msk [tilespmem:v59+s4+$0x0], $0xffff  }
0x66: {  	v9 =	vadd.s32 v3, v13;
	[tilespmem:s23+$0xFFFFFF90] =	vst v7;
	v7 =	vld.idx.msk [tilespmem:v57+s4+$0x0], $0xffff  }
0x67: {  	v5 =	vld.idx.msk [tilespmem:v5+s4+$0x0], $0xffff;
	[tilespmem:s23+$0xFFFFFFC0] =	vst v12;
	v12 =	vadd.s32 v2, v49  }
0x68: {  	v14 =	vadd.s32 v3, v14;
	[tilespmem:s23+$0x20] =	vst v20;
	v6 =	vld.idx.msk [tilespmem:v6+s4+$0x0], $0xffff  }
0x69: {  	v60 =	vld.idx.msk [tilespmem:v10+s4+$0x0], $0xffff;
	[tilespmem:s23+$0x70] =	vst v8;
	v8 =	vadd.s32 v3, v43  }
0x6a: {  	v61 =	vadd.s32 v3, v44;
	[tilespmem:s23+$0x0] =	vst v62;
	v15 =	vld.idx.msk [tilespmem:v11+s4+$0x0], $0xffff  }
0x6b: {  	v18 =	vadd.s32 v3, v45;
	[tilespmem:s23+$0xFFFFFFE0] =	vst v7;
	v9 =	vld.idx.msk [tilespmem:v9+s4+$0x0], $0xffff  }
0x6c: {  	[tilespmem:s23+$0x10] =	vst v5;
	v12 =	vld.idx.msk [tilespmem:v12+s4+$0x0], $0xffff  }
0x6d: {  	[tilespmem:s23+$0x50] =	vst v63;
	v10 =	vld.idx.msk [tilespmem:v14+s4+$0x0], $0xffff  }
0x6e: {  	[tilespmem:s23+$0x30] =	vst v6;
	v11 =	vld.idx.msk [tilespmem:v8+s4+$0x0], $0xffff  }
0x6f: {  	[tilespmem:s23+$0x40] =	vst v60;
	v7 =	vld.idx.msk [tilespmem:v61+s4+$0x0], $0xffff  }
0x70: {  	s24 =	simm.s32 $0x8;
	s25 =	simm.s32 $0xC540;
	v5 =	vadd.s32 v3, v49;
	v6 =	vadd.s32 v3, v46;
	[tilespmem:s23+$0xF0] =	vst v15;
	v8 =	vld.idx.msk [tilespmem:v18+s4+$0x0], $0xffff  }
.LBB2_3:
0x71: {  	v13 =	vld [tilespmem:s25+$0x30];
	s24 =	sadd.s32 $0x8, s24;
	[tilespmem:s23+$0x60] =	vst v12  }
0x72: {  	v12 =	vld [tilespmem:s25+$0xFFFFFFD0];
	p1 =	slt.u32 s24, $0xB8;
	[tilespmem:s23+$0x90] =	vst v10  }
0x73: {  	v10 =	vld [tilespmem:s25+$0xFFFFFFE0];
	[tilespmem:s23+$0xA0] =	vst v11  }
0x74: {  	v11 =	vld [tilespmem:s25+$0xFFFFFFF0];
	[tilespmem:s23+$0xB0] =	vst v7  }
0x75: {  	v7 =	vld [tilespmem:s25+$0x0];
	[tilespmem:s23+$0xC0] =	vst v8  }
0x76: {  	v8 =	vld [tilespmem:s25+$0x10];
	v14 =	vadd.s32 v0, v13;
	[tilespmem:s23+$0x80] =	vst v9  }
0x77: {  	v9 =	vadd.s32 v0, v12;
	v15 =	vadd.s32 v1, v12;
	v16 =	vadd.s32 v2, v12;
	v17 =	vld [tilespmem:s25+$0x20];
	[tilespmem:s22+$0xE0] =	vst v4;
	s22 =	smov.u32 s23  }
0x78: {  	v18 =	vld [tilespmem:s25+$0xFFFFFFC0];
	v19 =	vadd.s32 v0, v10;
	v20 =	vadd.s32 v1, v10;
	v21 =	vadd.s32 v2, v10  }
0x79: {  	v22 =	vadd.s32 v0, v11;
	v23 =	vadd.s32 v1, v11;
	v24 =	vadd.s32 v2, v11;
	v25 =	vld.idx.msk [tilespmem:v6+s4+$0x0], $0xffff  }
0x7a: {  	v6 =	vadd.s32 v0, v7;
	v26 =	vadd.s32 v1, v7;
	v27 =	vadd.s32 v2, v7;
	v4 =	vld.idx.msk [tilespmem:v5+s4+$0x0], $0xffff  }
0x7b: {  	v5 =	vadd.s32 v0, v8;
	v28 =	vadd.s32 v1, v8;
	v29 =	vadd.s32 v2, v8;
	v14 =	vld.idx.msk [tilespmem:v14+s4+$0x0], $0xffff  }
0x7c: {  	v9 =	vld.idx.msk [tilespmem:v9+s4+$0x0], $0xffff;
	v30 =	vadd.s32 v0, v17;
	v31 =	vadd.s32 v1, v17;
	v32 =	vadd.s32 v2, v17  }
0x7d: {  	v35 =	vadd.s32 v1, v13;
	v33 =	vadd.s32 v0, v18;
	v34 =	vadd.s32 v1, v18;
	v19 =	vld.idx.msk [tilespmem:v19+s4+$0x0], $0xffff  }
0x7e: {  	v37 =	vadd.s32 v3, v12;
	v36 =	vadd.s32 v2, v18;
	v18 =	vadd.s32 v3, v18;
	v12 =	vld.idx.msk [tilespmem:v22+s4+$0x0], $0xffff  }
0x7f: {  	v38 =	vadd.s32 v3, v11;
	v39 =	vadd.s32 v3, v7;
	v22 =	vadd.s32 v3, v10;
	v10 =	vld.idx.msk [tilespmem:v6+s4+$0x0], $0xffff  }
0x80: {  	s23 =	sadd.s32 $0x200, s23;
	v6 =	vadd.s32 v3, v8;
	v7 =	vld.idx.msk [tilespmem:v5+s4+$0x0], $0xffff;
	v5 =	vadd.s32 v3, v17;
	[tilespmem:s22+$0xD0] =	vst v25  }
0x81: {  	v8 =	vld.idx.msk [tilespmem:v30+s4+$0x0], $0xffff;
	[tilespmem:s23+$0xFFFFFF70] =	vst v14  }
0x82: {  	[tilespmem:s23+$0xFFFFFF10] =	vst v9;
	v9 =	vld.idx.msk [tilespmem:v35+s4+$0x0], $0xffff  }
0x83: {  	v11 =	vld.idx.msk [tilespmem:v33+s4+$0x0], $0xffff;
	[tilespmem:s23+$0xFFFFFF20] =	vst v19  }
0x84: {  	v14 =	vld.idx.msk [tilespmem:v15+s4+$0x0], $0xffff;
	[tilespmem:s23+$0xFFFFFF30] =	vst v12;
	v12 =	vadd.s32 v2, v13  }
0x85: {  	v15 =	vld.idx.msk [tilespmem:v20+s4+$0x0], $0xffff;
	[tilespmem:s23+$0xFFFFFF40] =	vst v10  }
0x86: {  	v10 =	vld.idx.msk [tilespmem:v23+s4+$0x0], $0xffff;
	[tilespmem:s23+$0xFFFFFF50] =	vst v7  }
0x87: {  	v7 =	vld.idx.msk [tilespmem:v26+s4+$0x0], $0xffff;
	[tilespmem:s23+$0xFFFFFF60] =	vst v8  }
0x88: {  	v8 =	vld.idx.msk [tilespmem:v28+s4+$0x0], $0xffff;
	[tilespmem:s23+$0xFFFFFFF0] =	vst v9  }
0x89: {  	[tilespmem:s23+$0xFFFFFF00] =	vst v11;
	v9 =	vld.idx.msk [tilespmem:v12+s4+$0x0], $0xffff  }
0x8a: {  	v11 =	vld.idx.msk [tilespmem:v34+s4+$0x0], $0xffff;
	[tilespmem:s23+$0xFFFFFF90] =	vst v14  }
0x8b: {  	v13 =	vadd.s32 v3, v13;
	[tilespmem:s23+$0xFFFFFFA0] =	vst v15;
	v12 =	vld.idx.msk [tilespmem:v31+s4+$0x0], $0xffff  }
0x8c: {  	v14 =	vld.idx.msk [tilespmem:v16+s4+$0x0], $0xffff;
	[tilespmem:s23+$0xFFFFFFB0] =	vst v10  }
0x8d: {  	v10 =	vld.idx.msk [tilespmem:v21+s4+$0x0], $0xffff;
	[tilespmem:s23+$0xFFFFFFC0] =	vst v7  }
0x8e: {  	v7 =	vld.idx.msk [tilespmem:v24+s4+$0x0], $0xffff;
	[tilespmem:s23+$0xFFFFFFD0] =	vst v8  }
0x8f: {  	v8 =	vld.idx.msk [tilespmem:v27+s4+$0x0], $0xffff;
	[tilespmem:s23+$0x70] =	vst v9  }
0x90: {  	[tilespmem:s23+$0xFFFFFF80] =	vst v11;
	v9 =	vld.idx.msk [tilespmem:v13+s4+$0x0], $0xffff  }
0x91: {  	v13 =	vld.idx.msk [tilespmem:v36+s4+$0x0], $0xffff;
	[tilespmem:s23+$0xFFFFFFE0] =	vst v12  }
0x92: {  	[tilespmem:s23+$0x10] =	vst v14;
	v14 =	vld.idx.msk [tilespmem:v29+s4+$0x0], $0xffff  }
0x93: {  	[tilespmem:s23+$0x20] =	vst v10;
	v12 =	vld.idx.msk [tilespmem:v32+s4+$0x0], $0xffff  }
.Ltmp0:
0x94: {  	v10 =	vld.idx.msk [tilespmem:v37+s4+$0x0], $0xffff;
	[tilespmem:s23+$0x30] =	vst v7;
	(pc) =	sbr.rel @p1 .LBB2_3-.Ltmp0, $4  }
0x95: {  	v11 =	vld.idx.msk [tilespmem:v22+s4+$0x0], $0xffff;
	[tilespmem:s23+$0x40] =	vst v8  }
0x96: {  	v7 =	vld.idx.msk [tilespmem:v38+s4+$0x0], $0xffff;
	[tilespmem:s23+$0xF0] =	vst v9  }
0x97: {  	[tilespmem:s23+$0x0] =	vst v13;
	v8 =	vld.idx.msk [tilespmem:v39+s4+$0x0], $0xffff  }
0x98: {  	s25 =	sadd.s32 $0x80, s25;
	v9 =	vld.idx.msk [tilespmem:v18+s4+$0x0], $0xffff;
	[tilespmem:s23+$0x50] =	vst v14  }
0x99: {  	p1 =	seq.s32 s21, $0x0;
	p2 =	sne.s32 s20, $0x0  }
0x9a: {  	p1 =	por !p2, !p1  }
0x9b: {  	s24 =	simm.s32 $0x1;
	p1 =	por !p1, !p1  }
0x9c: {  	[tilespmem:s23+$0x60] =	vst v12;
	s24 =	simm.s32 @!p1 $0x0  }
0x9d: {  	[tilespmem:s23+$0x90] =	vst v10;
	s24 =	ssub.s32 s5, s24  }
0x9e: {  	v0 =	vld.idx.msk [tilespmem:v6+s4+$0x0], $0xffff;
	[tilespmem:s22+$0xE0] =	vst v4;
	s25 =	sshll.u32 s24, $0x5  }
0x9f: {  	[tilespmem:s23+$0xA0] =	vst v11;
	v1 =	vld.idx.msk [tilespmem:v5+s4+$0x0], $0xffff;
	s24 =	smul.u32 $0x60000, s24;
	s25 =	ssub.s32 s21, s25  }
0xa0: {  	[tilespmem:s23+$0xB0] =	vst v7;
	s25 =	smul.u32 $0x3000, s25  }
0xa1: {  	[tilespmem:s23+$0xC0] =	vst v8;
	s24 =	sadd.s32 s6, s24  }
0xa2: {  	[tilespmem:s23+$0x80] =	vst v9;
	s26 =	sadd.s32 s25, s24  }
0xa3: {  	[tilespmem:s23+$0xD0] =	vst v0;
	s22 =	sshrl.u32 s26, $0x3  }
0xa4: {  	[tilespmem:s23+$0xE0] =	vst v1;
	s22 =	sadd.s32 s3, s22  }
0xa5: {  	[hbm4b:s22+s4] =	stream.linear.scatter [tilespmem:s16], [sflag:$0x1], $0x3000, $0x38;
	[tilespmem:$0x14000] =	vst v63  }
0xa6: {  	s22 =	simm.s32 @!p0 $0x2  }
0xa7: {  	s21 =	sor.u32 $0x1, s21;
	_ =	swait.ge @!p0 [sflag:s22], $0x3000  }
0xa8: {  	s28 =	sshll.u32 s21, $0x6;
	[sflag:s22] =	ssyncset.done @!p0 $0x0  }
0xa9: {  	s29 =	sand.u32 $0x3FFFFFC0, s28;
	[sflag:s22] =	ssyncadd.s32 @!p0 $0xFFFFD000  }
0xaa: {  	v0 =	vld [tilespmem:s29+$0xD000]  }
0xab: {  	s30 =	simm.s32 $0xC440;
	v1 =	vld [tilespmem:s29+$0xD010]  }
0xac: {  	v4 =	vld [tilespmem:s30+$0x30]  }
0xad: {  	v5 =	vld [tilespmem:s30+$0xFFFFFFD0]  }
0xae: {  	v6 =	vld [tilespmem:s30+$0xFFFFFFE0]  }
0xaf: {  	v7 =	vld [tilespmem:s30+$0xFFFFFFF0]  }
0xb0: {  	v8 =	vld [tilespmem:s30+$0x0]  }
0xb1: {  	v9 =	vld [tilespmem:s30+$0x10]  }
0xb2: {  	v12 =	vld [tilespmem:s30+$0x20]  }
0xb3: {  	v2 =	vld [tilespmem:s29+$0xD020]  }
0xb4: {  	v14 =	vld [tilespmem:s30+$0xFFFFFFC0]  }
0xb5: {  	s31 =	simm.s32 $0xC4C0;
	v3 =	vld [tilespmem:s29+$0xD030]  }
0xb6: {  	v43 =	vld [tilespmem:s31+$0xFFFFFFE0];
	v10 =	vadd.s32 v0, v4  }
0xb7: {  	v44 =	vld [tilespmem:s31+$0xFFFFFFF0];
	v11 =	vadd.s32 v0, v5  }
0xb8: {  	v45 =	vld [tilespmem:s31+$0x0];
	v13 =	vadd.s32 v0, v6  }
0xb9: {  	v46 =	vld [tilespmem:s31+$0x10];
	v15 =	vadd.s32 v0, v7  }
0xba: {  	v49 =	vld [tilespmem:s31+$0x20];
	v16 =	vadd.s32 v0, v8  }
0xbb: {  	v17 =	vadd.s32 v0, v9;
	v10 =	vld.idx.msk [tilespmem:v10+s4+$0x0], $0xffff  }
0xbc: {  	v18 =	vadd.s32 v0, v12;
	v11 =	vld.idx.msk [tilespmem:v11+s4+$0x0], $0xffff  }
0xbd: {  	v20 =	vadd.s32 v0, v14;
	v13 =	vld.idx.msk [tilespmem:v13+s4+$0x0], $0xffff  }
0xbe: {  	v19 =	vadd.s32 v1, v4;
	v15 =	vld.idx.msk [tilespmem:v15+s4+$0x0], $0xffff  }
0xbf: {  	v21 =	vadd.s32 v1, v5;
	v16 =	vld.idx.msk [tilespmem:v16+s4+$0x0], $0xffff  }
0xc0: {  	s22 =	simm.s32 $0x11100;
	v22 =	vadd.s32 v1, v6;
	v17 =	vld.idx.msk [tilespmem:v17+s4+$0x0], $0xffff  }
0xc1: {  	v23 =	vadd.s32 v1, v7;
	v18 =	vld.idx.msk [tilespmem:v18+s4+$0x0], $0xffff;
	[tilespmem:s22+$0xFFFFFF70] =	vst v10  }
0xc2: {  	v24 =	vadd.s32 v1, v9;
	[tilespmem:s22+$0xFFFFFF10] =	vst v11;
	v11 =	vld.idx.msk [tilespmem:v20+s4+$0x0], $0xffff  }
0xc3: {  	v10 =	vadd.s32 v1, v8;
	[tilespmem:s22+$0xFFFFFF20] =	vst v13;
	v19 =	vld.idx.msk [tilespmem:v19+s4+$0x0], $0xffff  }
0xc4: {  	v30 =	vadd.s32 v1, v14;
	[tilespmem:s22+$0xFFFFFF30] =	vst v15;
	v13 =	vld.idx.msk [tilespmem:v21+s4+$0x0], $0xffff  }
0xc5: {  	v31 =	vadd.s32 v1, v12;
	[tilespmem:s22+$0xFFFFFF40] =	vst v16;
	v15 =	vld.idx.msk [tilespmem:v22+s4+$0x0], $0xffff  }
0xc6: {  	v29 =	vadd.s32 v2, v4;
	[tilespmem:s22+$0xFFFFFF50] =	vst v17;
	v32 =	vld.idx.msk [tilespmem:v23+s4+$0x0], $0xffff  }
0xc7: {  	v33 =	vadd.s32 v2, v5;
	[tilespmem:s22+$0xFFFFFF60] =	vst v18;
	v24 =	vld.idx.msk [tilespmem:v24+s4+$0x0], $0xffff  }
0xc8: {  	v34 =	vadd.s32 v2, v6;
	v10 =	vld.idx.msk [tilespmem:v10+s4+$0x0], $0xffff;
	[tilespmem:s22+$0xFFFFFF00] =	vst v11  }
0xc9: {  	v35 =	vadd.s32 v2, v7;
	[tilespmem:s22+$0xFFFFFFF0] =	vst v19;
	v37 =	vld.idx.msk [tilespmem:v30+s4+$0x0], $0xffff  }
0xca: {  	v36 =	vadd.s32 v2, v8;
	[tilespmem:s22+$0xFFFFFF90] =	vst v13;
	v13 =	vld.idx.msk [tilespmem:v31+s4+$0x0], $0xffff  }
0xcb: {  	v39 =	vadd.s32 v2, v9;
	[tilespmem:s22+$0xFFFFFFA0] =	vst v15;
	v11 =	vld.idx.msk [tilespmem:v29+s4+$0x0], $0xffff  }
0xcc: {  	v38 =	vadd.s32 v2, v14;
	[tilespmem:s22+$0xFFFFFFB0] =	vst v32;
	v15 =	vld.idx.msk [tilespmem:v33+s4+$0x0], $0xffff  }
0xcd: {  	v41 =	vadd.s32 v2, v12;
	[tilespmem:s22+$0xFFFFFFD0] =	vst v24;
	v40 =	vld.idx.msk [tilespmem:v34+s4+$0x0], $0xffff  }
0xce: {  	v4 =	vadd.s32 v3, v4;
	[tilespmem:s22+$0xFFFFFFC0] =	vst v10;
	v10 =	vld.idx.msk [tilespmem:v35+s4+$0x0], $0xffff  }
0xcf: {  	v5 =	vadd.s32 v3, v5;
	v42 =	vld.idx.msk [tilespmem:v36+s4+$0x0], $0xffff;
	[tilespmem:s22+$0xFFFFFF80] =	vst v37  }
0xd0: {  	v7 =	vadd.s32 v3, v7;
	[tilespmem:s22+$0xFFFFFFE0] =	vst v13;
	v13 =	vld.idx.msk [tilespmem:v39+s4+$0x0], $0xffff  }
0xd1: {  	[tilespmem:s22+$0x70] =	vst v11;
	v11 =	vld.idx.msk [tilespmem:v38+s4+$0x0], $0xffff  }
0xd2: {  	[tilespmem:s22+$0x10] =	vst v15;
	v15 =	vld.idx.msk [tilespmem:v41+s4+$0x0], $0xffff  }
0xd3: {  	v14 =	vadd.s32 v3, v14;
	v4 =	vld.idx.msk [tilespmem:v4+s4+$0x0], $0xffff  }
0xd4: {  	v5 =	vld.idx.msk [tilespmem:v5+s4+$0x0], $0xffff;
	[tilespmem:s22+$0x30] =	vst v10  }
0xd5: {  	v9 =	vadd.s32 v3, v9;
	v7 =	vld.idx.msk [tilespmem:v7+s4+$0x0], $0xffff  }
0xd6: {  	v8 =	vadd.s32 v3, v8;
	[tilespmem:s22+$0x50] =	vst v13;
	v13 =	vld [tilespmem:s31+$0xFFFFFFC0]  }
0xd7: {  	v51 =	vadd.s32 v0, v45;
	[tilespmem:s22+$0x0] =	vst v11;
	v11 =	vld [tilespmem:s31+$0x30]  }
0xd8: {  	v6 =	vadd.s32 v3, v6;
	v10 =	vld.idx.msk [tilespmem:v14+s4+$0x0], $0xffff  }
0xd9: {  	[tilespmem:s22+$0x60] =	vst v15;
	v15 =	vadd.s32 v0, v44;
	v14 =	vld [tilespmem:s31+$0xFFFFFFD0]  }
0xda: {  	v12 =	vadd.s32 v3, v12;
	[tilespmem:s22+$0x40] =	vst v42;
	v9 =	vld.idx.msk [tilespmem:v9+s4+$0x0], $0xffff  }
0xdb: {  	v50 =	vadd.s32 v0, v43;
	[tilespmem:s22+$0x20] =	vst v40;
	v8 =	vld.idx.msk [tilespmem:v8+s4+$0x0], $0xffff  }
0xdc: {  	v54 =	vld.idx.msk [tilespmem:v51+s4+$0x0], $0xffff;
	[tilespmem:s22+$0x90] =	vst v5;
	v5 =	vadd.s32 v0, v46  }
0xdd: {  	v6 =	vld.idx.msk [tilespmem:v6+s4+$0x0], $0xffff;
	[tilespmem:s22+$0xF0] =	vst v4;
	v47 =	vadd.s32 v0, v11  }
0xde: {  	[tilespmem:s22+$0xB0] =	vst v7;
	v15 =	vld.idx.msk [tilespmem:v15+s4+$0x0], $0xffff;
	v48 =	vadd.s32 v0, v14  }
0xdf: {  	v4 =	vld.idx.msk [tilespmem:v12+s4+$0x0], $0xffff;
	[tilespmem:s22+$0xD0] =	vst v9;
	v9 =	vadd.s32 v1, v44  }
0xe0: {  	s23 =	simm.s32 $0x11300;
	v7 =	vld.idx.msk [tilespmem:v50+s4+$0x0], $0xffff;
	[tilespmem:s22+$0xC0] =	vst v8;
	v8 =	vadd.s32 v0, v13  }
0xe1: {  	v55 =	vadd.s32 v1, v43;
	[tilespmem:s23+$0xFFFFFF40] =	vst v54;
	v5 =	vld.idx.msk [tilespmem:v5+s4+$0x0], $0xffff  }
0xe2: {  	v52 =	vadd.s32 v0, v49;
	[tilespmem:s22+$0xA0] =	vst v6;
	v12 =	vld.idx.msk [tilespmem:v47+s4+$0x0], $0xffff  }
0xe3: {  	v56 =	vadd.s32 v1, v46;
	[tilespmem:s23+$0xFFFFFF30] =	vst v15;
	v6 =	vld.idx.msk [tilespmem:v48+s4+$0x0], $0xffff  }
0xe4: {  	v53 =	vadd.s32 v1, v11;
	[tilespmem:s22+$0x80] =	vst v10;
	v9 =	vld.idx.msk [tilespmem:v9+s4+$0x0], $0xffff  }
0xe5: {  	v10 =	vadd.s32 v1, v14;
	[tilespmem:s23+$0xFFFFFF20] =	vst v7;
	v8 =	vld.idx.msk [tilespmem:v8+s4+$0x0], $0xffff  }
0xe6: {  	v15 =	vadd.s32 v1, v13;
	v24 =	vld.idx.msk [tilespmem:v55+s4+$0x0], $0xffff;
	[tilespmem:s23+$0xFFFFFF50] =	vst v5  }
0xe7: {  	v58 =	vadd.s32 v2, v43;
	v20 =	vld.idx.msk [tilespmem:v52+s4+$0x0], $0xffff;
	[tilespmem:s23+$0xFFFFFF70] =	vst v12  }
0xe8: {  	v21 =	vld.idx.msk [tilespmem:v56+s4+$0x0], $0xffff;
	v12 =	vadd.s32 v1, v45;
	[tilespmem:s23+$0xFFFFFF10] =	vst v6  }
0xe9: {  	v6 =	vld.idx.msk [tilespmem:v53+s4+$0x0], $0xffff;
	[tilespmem:s23+$0xFFFFFFB0] =	vst v9;
	v9 =	vadd.s32 v2, v46  }
0xea: {  	[tilespmem:s23+$0xFFFFFF00] =	vst v8;
	v7 =	vld.idx.msk [tilespmem:v10+s4+$0x0], $0xffff;
	v10 =	vadd.s32 v2, v11  }
0xeb: {  	v5 =	vadd.s32 v2, v14;
	[tilespmem:s23+$0xFFFFFFA0] =	vst v24;
	v15 =	vld.idx.msk [tilespmem:v15+s4+$0x0], $0xffff  }
0xec: {  	v57 =	vadd.s32 v1, v49;
	[tilespmem:s23+$0xFFFFFF60] =	vst v20;
	v20 =	vld.idx.msk [tilespmem:v58+s4+$0x0], $0xffff  }
0xed: {  	v59 =	vadd.s32 v2, v13;
	[tilespmem:s23+$0xFFFFFFD0] =	vst v21;
	v12 =	vld.idx.msk [tilespmem:v12+s4+$0x0], $0xffff  }
0xee: {  	[tilespmem:s23+$0xFFFFFFF0] =	vst v6;
	v6 =	vadd.s32 v2, v44;
	v63 =	vld.idx.msk [tilespmem:v9+s4+$0x0], $0xffff  }
0xef: {  	v8 =	vld.idx.msk [tilespmem:v10+s4+$0x0], $0xffff;
	v10 =	vadd.s32 v2, v45;
	[tilespmem:s23+$0xFFFFFF90] =	vst v7  }
0xf0: {  	v11 =	vadd.s32 v3, v11;
	v5 =	vld.idx.msk [tilespmem:v5+s4+$0x0], $0xffff  }
0xf1: {  	v14 =	vadd.s32 v3, v14;
	[tilespmem:s23+$0xFFFFFF80] =	vst v15;
	v7 =	vld.idx.msk [tilespmem:v57+s4+$0x0], $0xffff  }
0xf2: {  	v61 =	vld.idx.msk [tilespmem:v59+s4+$0x0], $0xffff;
	[tilespmem:s23+$0xFFFFFFC0] =	vst v12;
	v12 =	vadd.s32 v2, v49  }
0xf3: {  	v13 =	vadd.s32 v3, v13;
	[tilespmem:s23+$0x20] =	vst v20;
	v6 =	vld.idx.msk [tilespmem:v6+s4+$0x0], $0xffff  }
0xf4: {  	v60 =	vld.idx.msk [tilespmem:v10+s4+$0x0], $0xffff;
	[tilespmem:s23+$0x70] =	vst v8;
	v8 =	vadd.s32 v3, v43  }
0xf5: {  	v15 =	vadd.s32 v3, v44;
	v11 =	vld.idx.msk [tilespmem:v11+s4+$0x0], $0xffff;
	[tilespmem:s23+$0x10] =	vst v5  }
0xf6: {  	v62 =	vadd.s32 v3, v45;
	[tilespmem:s23+$0xFFFFFFE0] =	vst v7;
	v7 =	vld.idx.msk [tilespmem:v14+s4+$0x0], $0xffff  }
0xf7: {  	[tilespmem:s23+$0x0] =	vst v61;
	v10 =	vld.idx.msk [tilespmem:v12+s4+$0x0], $0xffff  }
0xf8: {  	[tilespmem:s23+$0x50] =	vst v63;
	v12 =	vld.idx.msk [tilespmem:v13+s4+$0x0], $0xffff  }
0xf9: {  	[tilespmem:s23+$0x30] =	vst v6;
	v8 =	vld.idx.msk [tilespmem:v8+s4+$0x0], $0xffff  }
0xfa: {  	[tilespmem:s23+$0x40] =	vst v60;
	v9 =	vld.idx.msk [tilespmem:v15+s4+$0x0], $0xffff  }
0xfb: {  	s24 =	simm.s32 $0x8;
	s25 =	simm.s32 $0xC540;
	v5 =	vadd.s32 v3, v49;
	v6 =	vadd.s32 v3, v46;
	[tilespmem:s23+$0xF0] =	vst v11;
	v11 =	vld.idx.msk [tilespmem:v62+s4+$0x0], $0xffff  }
.LBB2_5:
0xfc: {  	v13 =	vld [tilespmem:s25+$0x30];
	s24 =	sadd.s32 $0x8, s24;
	[tilespmem:s23+$0x60] =	vst v10  }
0xfd: {  	v10 =	vld [tilespmem:s25+$0xFFFFFFD0];
	p0 =	slt.u32 s24, $0xB8;
	[tilespmem:s23+$0x90] =	vst v7  }
0xfe: {  	v7 =	vld [tilespmem:s25+$0xFFFFFFE0];
	[tilespmem:s23+$0xA0] =	vst v8  }
0xff: {  	v8 =	vld [tilespmem:s25+$0xFFFFFFF0];
	[tilespmem:s23+$0xB0] =	vst v9  }
0x100: {  	v9 =	vld [tilespmem:s25+$0x0];
	[tilespmem:s23+$0xC0] =	vst v11  }
0x101: {  	v11 =	vld [tilespmem:s25+$0x10];
	v14 =	vadd.s32 v0, v13;
	[tilespmem:s23+$0x80] =	vst v12  }
0x102: {  	v12 =	vadd.s32 v0, v10;
	v15 =	vadd.s32 v1, v10;
	v16 =	vadd.s32 v2, v10;
	v17 =	vld [tilespmem:s25+$0x20];
	[tilespmem:s22+$0xE0] =	vst v4;
	s22 =	smov.u32 s23  }
0x103: {  	v18 =	vld [tilespmem:s25+$0xFFFFFFC0];
	v19 =	vadd.s32 v0, v7;
	v20 =	vadd.s32 v1, v7;
	v21 =	vadd.s32 v2, v7  }
0x104: {  	v22 =	vadd.s32 v0, v8;
	v23 =	vadd.s32 v1, v8;
	v24 =	vadd.s32 v2, v8;
	v25 =	vld.idx.msk [tilespmem:v6+s4+$0x0], $0xffff  }
0x105: {  	v6 =	vadd.s32 v0, v9;
	v26 =	vadd.s32 v1, v9;
	v27 =	vadd.s32 v2, v9;
	v4 =	vld.idx.msk [tilespmem:v5+s4+$0x0], $0xffff  }
0x106: {  	v5 =	vadd.s32 v0, v11;
	v28 =	vadd.s32 v1, v11;
	v29 =	vadd.s32 v2, v11;
	v14 =	vld.idx.msk [tilespmem:v14+s4+$0x0], $0xffff  }
0x107: {  	v12 =	vld.idx.msk [tilespmem:v12+s4+$0x0], $0xffff;
	v30 =	vadd.s32 v0, v17;
	v31 =	vadd.s32 v1, v17;
	v32 =	vadd.s32 v2, v17  }
0x108: {  	v35 =	vadd.s32 v1, v13;
	v33 =	vadd.s32 v0, v18;
	v34 =	vadd.s32 v1, v18;
	v19 =	vld.idx.msk [tilespmem:v19+s4+$0x0], $0xffff  }
0x109: {  	v37 =	vadd.s32 v3, v10;
	v36 =	vadd.s32 v2, v18;
	v18 =	vadd.s32 v3, v18;
	v10 =	vld.idx.msk [tilespmem:v22+s4+$0x0], $0xffff  }
0x10a: {  	v38 =	vadd.s32 v3, v8;
	v39 =	vadd.s32 v3, v9;
	v22 =	vadd.s32 v3, v7;
	v7 =	vld.idx.msk [tilespmem:v6+s4+$0x0], $0xffff  }
0x10b: {  	s23 =	sadd.s32 $0x200, s23;
	v6 =	vadd.s32 v3, v11;
	v8 =	vld.idx.msk [tilespmem:v5+s4+$0x0], $0xffff;
	v5 =	vadd.s32 v3, v17;
	[tilespmem:s22+$0xD0] =	vst v25  }
0x10c: {  	v9 =	vld.idx.msk [tilespmem:v30+s4+$0x0], $0xffff;
	[tilespmem:s23+$0xFFFFFF70] =	vst v14  }
0x10d: {  	[tilespmem:s23+$0xFFFFFF10] =	vst v12;
	v11 =	vld.idx.msk [tilespmem:v35+s4+$0x0], $0xffff  }
0x10e: {  	v12 =	vld.idx.msk [tilespmem:v33+s4+$0x0], $0xffff;
	[tilespmem:s23+$0xFFFFFF20] =	vst v19  }
0x10f: {  	v14 =	vld.idx.msk [tilespmem:v15+s4+$0x0], $0xffff;
	[tilespmem:s23+$0xFFFFFF30] =	vst v10;
	v10 =	vadd.s32 v2, v13  }
0x110: {  	v15 =	vld.idx.msk [tilespmem:v20+s4+$0x0], $0xffff;
	[tilespmem:s23+$0xFFFFFF40] =	vst v7  }
0x111: {  	v7 =	vld.idx.msk [tilespmem:v23+s4+$0x0], $0xffff;
	[tilespmem:s23+$0xFFFFFF50] =	vst v8  }
0x112: {  	v8 =	vld.idx.msk [tilespmem:v26+s4+$0x0], $0xffff;
	[tilespmem:s23+$0xFFFFFF60] =	vst v9  }
0x113: {  	v9 =	vld.idx.msk [tilespmem:v28+s4+$0x0], $0xffff;
	[tilespmem:s23+$0xFFFFFFF0] =	vst v11  }
0x114: {  	[tilespmem:s23+$0xFFFFFF00] =	vst v12;
	v10 =	vld.idx.msk [tilespmem:v10+s4+$0x0], $0xffff  }
0x115: {  	v11 =	vld.idx.msk [tilespmem:v34+s4+$0x0], $0xffff;
	[tilespmem:s23+$0xFFFFFF90] =	vst v14  }
0x116: {  	v13 =	vadd.s32 v3, v13;
	[tilespmem:s23+$0xFFFFFFA0] =	vst v15;
	v12 =	vld.idx.msk [tilespmem:v31+s4+$0x0], $0xffff  }
0x117: {  	v14 =	vld.idx.msk [tilespmem:v16+s4+$0x0], $0xffff;
	[tilespmem:s23+$0xFFFFFFB0] =	vst v7  }
0x118: {  	v7 =	vld.idx.msk [tilespmem:v21+s4+$0x0], $0xffff;
	[tilespmem:s23+$0xFFFFFFC0] =	vst v8  }
0x119: {  	v8 =	vld.idx.msk [tilespmem:v24+s4+$0x0], $0xffff;
	[tilespmem:s23+$0xFFFFFFD0] =	vst v9  }
0x11a: {  	v9 =	vld.idx.msk [tilespmem:v27+s4+$0x0], $0xffff;
	[tilespmem:s23+$0x70] =	vst v10  }
0x11b: {  	[tilespmem:s23+$0xFFFFFF80] =	vst v11;
	v11 =	vld.idx.msk [tilespmem:v13+s4+$0x0], $0xffff  }
0x11c: {  	v13 =	vld.idx.msk [tilespmem:v36+s4+$0x0], $0xffff;
	[tilespmem:s23+$0xFFFFFFE0] =	vst v12  }
0x11d: {  	[tilespmem:s23+$0x10] =	vst v14;
	v14 =	vld.idx.msk [tilespmem:v29+s4+$0x0], $0xffff  }
0x11e: {  	[tilespmem:s23+$0x20] =	vst v7;
	v10 =	vld.idx.msk [tilespmem:v32+s4+$0x0], $0xffff  }
.Ltmp1:
0x11f: {  	v7 =	vld.idx.msk [tilespmem:v37+s4+$0x0], $0xffff;
	[tilespmem:s23+$0x30] =	vst v8;
	(pc) =	sbr.rel @p0 .LBB2_5-.Ltmp1, $4  }
0x120: {  	v8 =	vld.idx.msk [tilespmem:v22+s4+$0x0], $0xffff;
	[tilespmem:s23+$0x40] =	vst v9  }
0x121: {  	v9 =	vld.idx.msk [tilespmem:v38+s4+$0x0], $0xffff;
	[tilespmem:s23+$0xF0] =	vst v11  }
0x122: {  	[tilespmem:s23+$0x0] =	vst v13;
	v11 =	vld.idx.msk [tilespmem:v39+s4+$0x0], $0xffff  }
0x123: {  	s25 =	sadd.s32 $0x80, s25;
	v12 =	vld.idx.msk [tilespmem:v18+s4+$0x0], $0xffff;
	[tilespmem:s23+$0x50] =	vst v14  }
0x124: {  	_ =	sdelay $0x1  }
0x125: {  	[tilespmem:s23+$0x60] =	vst v10  }
0x126: {  	[tilespmem:s23+$0x90] =	vst v7  }
0x127: {  	v0 =	vld.idx.msk [tilespmem:v6+s4+$0x0], $0xffff;
	[tilespmem:s22+$0xE0] =	vst v4  }
0x128: {  	s21 =	ssub.s32 s21, s9;
	s20 =	sadd.s32 $0x1, s20;
	[tilespmem:s23+$0xA0] =	vst v8;
	v1 =	vld.idx.msk [tilespmem:v5+s4+$0x0], $0xffff  }
0x129: {  	s21 =	smul.u32 $0x3000, s21;
	p0 =	sne.s32 s20, $0x10;
	[tilespmem:s23+$0xB0] =	vst v9  }
.Ltmp2:
0x12a: {  	[tilespmem:s23+$0xC0] =	vst v11;
	(pc) =	sbr.rel @p0 .LBB2_2-.Ltmp2, $4  }
0x12b: {  	s21 =	sadd.s32 s21, s10;
	[tilespmem:s23+$0x80] =	vst v12  }
0x12c: {  	s21 =	sshrl.u32 s21, $0x3;
	[tilespmem:s23+$0xD0] =	vst v0  }
0x12d: {  	s21 =	sadd.s32 s3, s21;
	[tilespmem:s23+$0xE0] =	vst v1  }
0x12e: {  	[hbm4b:s21+s4] =	stream.linear.scatter [tilespmem:s17], [sflag:$0x2], $0x3000, $0x38;
	[tilespmem:$0x14000] =	vst v63  }
0x12f: {  	s19 =	sadd.s32 $0x1, s19  }
0x130: {  	_ =	swait.ge [sflag:s15], $0x3000;
	p0 =	sne.s32 s19, s11  }
.Ltmp3:
0x131: {  	[sflag:s15] =	ssyncset.done $0x0;
	(pc) =	sbr.rel @p0 .LBB2_1-.Ltmp3, $4  }
0x132: {  	[sflag:s15] =	ssyncadd.s32 $0xFFFFD000  }
0x133: {  	_ =	swait.ge [sflag:s18], $0x3000  }
0x134: {  	[sflag:s18] =	ssyncset.done $0x0  }
0x135: {  	[sflag:s18] =	ssyncadd.s32 $0xFFFFD000  }
0x136: {  	_ =	sfence.sel $0x180000  }
0x137: {  	[bflag:$0x0] =	sbarrier.arrive $0xFFFF  }
0x138: {  	p0 =	sne.s32 s1, $0x0;
	_ =	strace $0x90000047  }
0x139: {  	s0 =	sadd.s32 @!p0 $0x100000, s0;
	[bflag:$0x2] =	sbarrier.arrive $0xFFFF  }
0x13a: {  	[sflag:s0] =	ssyncadd.tile.s32 @!p0 $0x1;
	_ =	shalt  }
.Lfunc_end2:
_tile_overlayer_lowered:
.L_overlay_start_2:
0x13b: {  	(tag) =	ssettag $0x2  }
0x13c: {  	s0 =	rddreg [dreg:$0x0];
	s2 =	stileid.u32  }
0x13d: {  	s1 =	rddreg [dreg:$0x1];
	p0 =	sne.s32 s2, $0x0  }
0x13e: {  	s3 =	rddreg [dreg:$0x2];
	[bflag:$0x3] =	sbarrier.arrive $0xFFFF;
	s2 =	simm.s32 @!p0 $0x1C03  }
0x13f: {  	[timem:s3], [sflag:s2] =	dma.local @!p0 [hbm:s0], s1  }
0x140: {  	s0 =	simm.s32 @!p0 $0x3  }
0x141: {  	_ =	swait.ge @!p0 [sflag:s0], s1  }
0x142: {  	s1 =	ssub.s32 @!p0 $0x0, s1;
	[sflag:s0] =	ssyncset.done @!p0 $0x0  }
0x143: {  	[sflag:s0] =	ssyncadd.s32 @!p0 s1  }
0x144: {  	[bflag:$0x3] =	sbarrier.arrive $0xFFFF  }
0x145: {  	_ =	shalt  }

</sc_bundles>
